<compile_context>
chip_gen: v7x
topology: tpu7x:2x2x1
jax: 0.10.2.dev20260603
libtpu: 0.0.44.dev20260713+nightly
codegen_flags: <defaults>
</compile_context>

<pallas_src>
import jax
import jax.numpy as jnp
from jax import lax
from jax.experimental import pallas as pl
from jax.experimental.pallas import tpu as pltpu
from jax.experimental.pallas import tpu_sc as plsc

_M = 30
_MP = 32
_K = 20
_BETA = 0.15
_NEG = -3.0e38


def _sc_gather(X, idx_flat):
    ni = idx_flat.shape[0]
    d = X.shape[1]
    ncores, nsub = 2, 16
    nw = ncores * nsub
    chunk = 128
    b_per_w = ni // nw
    nchunk = b_per_w // chunk
    mesh = plsc.VectorSubcoreMesh(core_axis_name="c", subcore_axis_name="s")
    idx2 = idx_flat.reshape(ni // chunk, chunk)

    @pl.kernel(out_type=jax.ShapeDtypeStruct((ni, d), X.dtype), mesh=mesh,
               scratch_types=[pltpu.VMEM((nchunk, chunk), jnp.int32),
                              pltpu.VMEM((2, chunk, d), X.dtype),
                              pltpu.SemaphoreType.DMA])
    def gk(x_hbm, i_hbm, o_hbm, idx_v, rows_v, sem):
        wid = lax.axis_index("s") * ncores + lax.axis_index("c")
        base = wid * b_per_w
        pltpu.sync_copy(i_hbm.at[pl.ds(wid * nchunk, nchunk)], idx_v)
        pltpu.async_copy(x_hbm.at[idx_v.at[0]], rows_v.at[0], sem)
        for j in range(nchunk):
            pltpu.make_async_copy(x_hbm.at[idx_v.at[j]], rows_v.at[j % 2],
                                  sem).wait()
            if j + 1 < nchunk:
                pltpu.async_copy(x_hbm.at[idx_v.at[j + 1]],
                                 rows_v.at[(j + 1) % 2], sem)
            pltpu.sync_copy(rows_v.at[j % 2],
                            o_hbm.at[pl.ds(base + j * chunk, chunk)])

    return gk(X, idx2)


def _rank_desc_last(v, ndim_shape, i_axis, j_axis):
    ii = lax.broadcasted_iota(jnp.int32, ndim_shape, i_axis)
    jj = lax.broadcasted_iota(jnp.int32, ndim_shape, j_axis)
    vi = jnp.expand_dims(v, j_axis)
    vj = jnp.expand_dims(v, i_axis)
    above = (vi > vj) | ((vi == vj) & (ii < jj))
    return jnp.sum(above.astype(jnp.int32), axis=i_axis)


def _tc_body(xg2_ref, q_ref, idx_ref, final_ref, scores_ref, pre_ref,
             xdba_ref):
    Xg2 = xg2_ref[...]
    B = Xg2.shape[0]
    par = (idx_ref[...] & 1)[:, :, None]
    Xg = jnp.where(par == 0, Xg2[:, :, :64], Xg2[:, :, 64:])
    S = lax.dot_general(Xg, Xg, (((2,), (2,)), ((0,), (0,))),
                        preferred_element_type=jnp.float32)
    j3 = lax.broadcasted_iota(jnp.int32, (B, _MP, _MP), 2)
    V = jnp.where(j3 < _M, S, _NEG)
    R = _rank_desc_last(V, (B, _MP, _MP, _MP), 2, 3)
    W = jnp.where(R == 0, jnp.float32(1.0),
                  jnp.where(R < _K, _BETA * V, jnp.float32(0.0)))
    denom = jnp.sum(W, axis=2)
    num = lax.dot_general(W, Xg, (((2,), (1,)), ((0,), (0,))),
                          precision=lax.Precision.HIGHEST,
                          preferred_element_type=jnp.float32)
    xdba = num / denom[:, :, None]
    xdba_ref[...] = xdba

    q = q_ref[...]
    sc = jnp.sum(xdba * q[:, None, :], axis=2)
    scores_ref[...] = sc

    m2 = lax.broadcasted_iota(jnp.int32, (B, _MP), 1)
    scm = jnp.where(m2 < _M, sc, _NEG)
    R2 = _rank_desc_last(scm, (B, _MP, _MP), 1, 2)
    p_iota = lax.broadcasted_iota(jnp.int32, (B, _MP, _MP), 1)
    m_iota = lax.broadcasted_iota(jnp.int32, (B, _MP, _MP), 2)
    O = (R2[:, None, :] == p_iota).astype(jnp.int32)
    pre_ref[...] = jnp.sum(O * m_iota, axis=2)
    final_ref[...] = jnp.sum(O * idx_ref[...][:, None, :], axis=2)


def kernel(X, Q, ranks):
    nq = Q.shape[0]
    d = X.shape[1]
    idx = jnp.transpose(ranks[:_M, :]).astype(jnp.int32)
    idx_p = jnp.pad(idx, ((0, 0), (0, _MP - _M)))

    Xp = X.reshape(X.shape[0] // 2, 2 * d)
    Xg2 = _sc_gather(Xp, (idx_p >> 1).reshape(-1)).reshape(nq, _MP, 2 * d)

    B = 64
    nb = nq // B
    final_p, scores_p, pre_p, xdba_p = pl.pallas_call(
        _tc_body,
        grid=(nb,),
        in_specs=[
            pl.BlockSpec((B, _MP, 2 * d), lambda i: (i, 0, 0)),
            pl.BlockSpec((B, d), lambda i: (i, 0)),
            pl.BlockSpec((B, _MP), lambda i: (i, 0)),
        ],
        out_specs=[
            pl.BlockSpec((B, _MP), lambda i: (i, 0)),
            pl.BlockSpec((B, _MP), lambda i: (i, 0)),
            pl.BlockSpec((B, _MP), lambda i: (i, 0)),
            pl.BlockSpec((B, _MP, d), lambda i: (i, 0, 0)),
        ],
        out_shape=[
            jax.ShapeDtypeStruct((nq, _MP), jnp.int32),
            jax.ShapeDtypeStruct((nq, _MP), jnp.float32),
            jax.ShapeDtypeStruct((nq, _MP), jnp.int32),
            jax.ShapeDtypeStruct((nq, _MP, d), jnp.float32),
        ],
        compiler_params=pltpu.CompilerParams(
            dimension_semantics=("parallel",)),
    )(Xg2, Q, idx_p)

    return (final_p[:, :_M], scores_p[:, :_M], pre_p[:, :_M],
            xdba_p[:, :_M, :])

# --- scband reference (transcript-rebuilt; emitter-appended) ---
"""Pipeline reference for scband-mdesc-aug-31396210934413 (READ-ONLY COPY).

The authoritative reference and input builder live on the scoring server;
editing this copy changes nothing except your own understanding.
"""

import jax, jax.numpy as jnp
import numpy as np

M = 30
K = 20  # K+1 in torch init (K=19 -> 20)
BETA = 0.15


def setup_inputs(seed: int = 0) -> dict:
    key = jax.random.key(seed)
    k1, k2, k3 = jax.random.split(key, 3)
    X = jax.random.normal(k1, (1000000, 64), dtype=jnp.float32)
    Q = jax.random.normal(k2, (1024, 64), dtype=jnp.float32)
    ranks = jax.random.randint(k3, (1000, 1024), 0, 1000000, dtype=jnp.int32)
    return {"X": X, "Q": Q, "ranks": ranks}


def reference(X, Q, ranks):
    # ranks: [N_ranked, nq] -> take top-M per query
    ranks_trans_1000 = jnp.transpose(ranks, (1, 0))[:, :M]          # [nq, M]
    X_tensor1 = X[ranks_trans_1000]                                   # [nq, M, d] gather
    res_ie = jnp.einsum('abc,adc->abd', X_tensor1, X_tensor1)        # [nq, M, M]
    res_ie_ranks = jnp.argsort(-res_ie, axis=-1)[:, :, :K]           # [nq, M, K]
    res_ie_ranks_value = (-jnp.sort(-res_ie, axis=-1))[:, :, :K]     # [nq, M, K]
    res_ie_ranks_value = res_ie_ranks_value[..., None]               # [nq, M, K, 1]
    res_ie_ranks_value = res_ie_ranks_value.at[:, :, 1:, :].multiply(BETA)
    res_ie_ranks_value = res_ie_ranks_value.at[:, :, 0:1, :].set(1.0)
    x_dba = X_tensor1                                                 # [nq, M, d]
    # per-query gather: j[i] for (i, j) in zip(res_ie_ranks, x_dba)
    gathered = jax.vmap(lambda xb, ib: xb[ib])(x_dba, res_ie_ranks)  # [nq, M, K, d]
    x_dba = jnp.sum(gathered * res_ie_ranks_value, axis=2) / jnp.sum(res_ie_ranks_value, axis=2)  # [nq, M, d]
    res_top1000_dba = jnp.einsum('ac,adc->ad', Q, x_dba)             # [nq, M]
    ranks_trans_1000_pre = jnp.argsort(-res_top1000_dba, axis=-1)    # [nq, M]
    rerank_dba_final = jnp.take_along_axis(ranks_trans_1000, ranks_trans_1000_pre, axis=1)  # [nq, M]
    return (rerank_dba_final, res_top1000_dba, ranks_trans_1000_pre, x_dba)

if __name__ == "__main__":
    import jax
    _d = setup_inputs()
    print(jax.jit(kernel)(*tuple(_d.values())))

</pallas_src>

<mosaic_0001>
#map = affine_map<(d0, d1) -> (0, 0)>
module attributes {stable_mosaic.version = 14 : i64} {
  func.func @gk(%arg0: i32, %arg1: i32, %arg2: memref<500000x128xf32, #tpu.memory_space<hbm>>, %arg3: memref<256x128xi32, #tpu.memory_space<hbm>>, %arg4: memref<32768x128xf32, #tpu.memory_space<hbm>>, %arg5: memref<8x128xi32, #tpu.memory_space<vmem>>, %arg6: memref<2x128x128xf32, #tpu.memory_space<vmem>>, %arg7: memref<!tpu.dma_semaphore, #tpu.memory_space<semaphore_mem>>) attributes {dimension_semantics = [#tpu.dimension_semantics<core_parallel>, #tpu.dimension_semantics<subcore_parallel>], iteration_bounds = array<i64: 2, 16>, scalar_prefetch = 0 : i64, scratch_operands = 3 : i64, tpu.core_type = #tpu.core_type<sc_vector_subcore>, window_params = [{transform_indices = #map}, {transform_indices = #map}, {transform_indices = #map}]} {
    %mul3A = arith.constant 2 : i32
    %mul3A_0 = arith.muli %arg1, %mul3A : i32
    %add3A = arith.addi %mul3A_0, %arg0 : i32
    %mul3A_1 = arith.constant 1024 : i32
    %mul3A_2 = arith.muli %add3A, %mul3A_1 : i32
    %mul3A_3 = arith.constant 8 : i32
    %mul3A_4 = arith.muli %add3A, %mul3A_3 : i32
    "tpu.region"() ({
      %run_scoped3A_218 = tpu.sem_alloc : memref<!tpu.dma_semaphore, #tpu.memory_space<semaphore_mem>>
      %dma_start3A_219 = arith.constant 0 : i32
      %dma_start3A_220 = tpu.memref_slice %arg3[%mul3A_4, %dma_start3A_219] : memref<256x128xi32, #tpu.memory_space<hbm>> -> memref<8x128xi32, #tpu.memory_space<hbm>>
      %dma_start3A_221 = arith.constant 0 : i32
      %dma_start3A_222 = tpu.memref_slice %arg3[%mul3A_4, %dma_start3A_221] : memref<256x128xi32, #tpu.memory_space<hbm>> -> memref<8x128xi32, #tpu.memory_space<hbm>>
      tpu.enqueue_dma source(%dma_start3A_222 : memref<8x128xi32, #tpu.memory_space<hbm>>) target(%arg5 : memref<8x128xi32, #tpu.memory_space<vmem>>) target_semaphore(%run_scoped3A_218 : memref<!tpu.dma_semaphore, #tpu.memory_space<semaphore_mem>>)
      %dma_wait3A_223 = arith.constant 0 : i32
      %dma_wait3A_224 = tpu.memref_slice %arg3[%mul3A_4, %dma_wait3A_223] : memref<256x128xi32, #tpu.memory_space<hbm>> -> memref<8x128xi32, #tpu.memory_space<hbm>>
      %dma_wait3A_225 = arith.constant 0 : i32
      %dma_wait3A_226 = tpu.memref_slice %arg3[%mul3A_4, %dma_wait3A_225] : memref<256x128xi32, #tpu.memory_space<hbm>> -> memref<8x128xi32, #tpu.memory_space<hbm>>
      tpu.wait_dma2 semaphore(%run_scoped3A_218 : memref<!tpu.dma_semaphore, #tpu.memory_space<semaphore_mem>>) src(%dma_wait3A_226 : memref<8x128xi32, #tpu.memory_space<hbm>>) dst(%arg5 : memref<8x128xi32, #tpu.memory_space<vmem>>)
      tpu.yield
    }) : () -> ()
    %dma_start3A = arith.constant 0 : i32
    %dma_start3A_5 = arith.constant 0 : i32
    %dma_start3A_6 = arith.constant 0 : i32
    %dma_start3A_7 = arith.constant 0 : i32
    %dma_start3A_8 = tpu.memref_slice %arg6[%dma_start3A_5, %dma_start3A_6, %dma_start3A_7] : memref<2x128x128xf32, #tpu.memory_space<vmem>> -> memref<1x128x128xf32, #tpu.memory_space<vmem>>
    %dma_start3A_9 = tpu.memref_squeeze %dma_start3A_8 : memref<1x128x128xf32, #tpu.memory_space<vmem>> -> memref<128x128xf32, #tpu.memory_space<vmem>>
    %dma_start3A_10 = arith.constant 0 : i32
    %dma_start3A_11 = tpu.memref_slice %arg5[%dma_start3A, %dma_start3A_10] : memref<8x128xi32, #tpu.memory_space<vmem>> -> memref<1x128xi32, #tpu.memory_space<vmem>>
    %dma_start3A_12 = tpu.memref_squeeze %dma_start3A_11 : memref<1x128xi32, #tpu.memory_space<vmem>> -> memref<128xi32, #tpu.memory_space<vmem>>
    %dma_start3A_13 = arith.constant 0 : i32
    %dma_start3A_14 = arith.constant 0 : i32
    %dma_start3A_15 = tpu.memref_slice %arg2[%dma_start3A_13, %dma_start3A_14] : memref<500000x128xf32, #tpu.memory_space<hbm>> -> memref<500000x128xf32, #tpu.memory_space<hbm>>
    tpu.enqueue_indirect_dma source(%dma_start3A_15 : memref<500000x128xf32, #tpu.memory_space<hbm>>) target(%dma_start3A_9 : memref<128x128xf32, #tpu.memory_space<vmem>>) offsets(%dma_start3A_12 : memref<128xi32, #tpu.memory_space<vmem>>) semaphore(%arg7 : memref<!tpu.dma_semaphore, #tpu.memory_space<semaphore_mem>>)
    %dma_wait3A = arith.constant 0 : i32
    %dma_wait3A_16 = arith.constant 0 : i32
    %dma_wait3A_17 = arith.constant 0 : i32
    %dma_wait3A_18 = arith.constant 0 : i32
    %dma_wait3A_19 = tpu.memref_slice %arg6[%dma_wait3A_16, %dma_wait3A_17, %dma_wait3A_18] : memref<2x128x128xf32, #tpu.memory_space<vmem>> -> memref<1x128x128xf32, #tpu.memory_space<vmem>>
    %dma_wait3A_20 = tpu.memref_squeeze %dma_wait3A_19 : memref<1x128x128xf32, #tpu.memory_space<vmem>> -> memref<128x128xf32, #tpu.memory_space<vmem>>
    %dma_wait3A_21 = arith.constant 0 : i32
    %dma_wait3A_22 = tpu.memref_slice %arg5[%dma_wait3A, %dma_wait3A_21] : memref<8x128xi32, #tpu.memory_space<vmem>> -> memref<1x128xi32, #tpu.memory_space<vmem>>
    %dma_wait3A_23 = tpu.memref_squeeze %dma_wait3A_22 : memref<1x128xi32, #tpu.memory_space<vmem>> -> memref<128xi32, #tpu.memory_space<vmem>>
    %dma_wait3A_24 = arith.constant 0 : i32
    %dma_wait3A_25 = arith.constant 0 : i32
    %dma_wait3A_26 = tpu.memref_slice %arg2[%dma_wait3A_24, %dma_wait3A_25] : memref<500000x128xf32, #tpu.memory_space<hbm>> -> memref<500000x128xf32, #tpu.memory_space<hbm>>
    tpu.wait_indirect_dma semaphore(%arg7 : memref<!tpu.dma_semaphore, #tpu.memory_space<semaphore_mem>>) src(%dma_wait3A_26 : memref<500000x128xf32, #tpu.memory_space<hbm>>) dst(%dma_wait3A_20 : memref<128x128xf32, #tpu.memory_space<vmem>>)
    %dma_start3A_27 = arith.constant 1 : i32
    %dma_start3A_28 = arith.constant 1 : i32
    %dma_start3A_29 = arith.constant 0 : i32
    %dma_start3A_30 = arith.constant 0 : i32
    %dma_start3A_31 = tpu.memref_slice %arg6[%dma_start3A_28, %dma_start3A_29, %dma_start3A_30] : memref<2x128x128xf32, #tpu.memory_space<vmem>> -> memref<1x128x128xf32, #tpu.memory_space<vmem>>
    %dma_start3A_32 = tpu.memref_squeeze %dma_start3A_31 : memref<1x128x128xf32, #tpu.memory_space<vmem>> -> memref<128x128xf32, #tpu.memory_space<vmem>>
    %dma_start3A_33 = arith.constant 0 : i32
    %dma_start3A_34 = tpu.memref_slice %arg5[%dma_start3A_27, %dma_start3A_33] : memref<8x128xi32, #tpu.memory_space<vmem>> -> memref<1x128xi32, #tpu.memory_space<vmem>>
    %dma_start3A_35 = tpu.memref_squeeze %dma_start3A_34 : memref<1x128xi32, #tpu.memory_space<vmem>> -> memref<128xi32, #tpu.memory_space<vmem>>
    %dma_start3A_36 = arith.constant 0 : i32
    %dma_start3A_37 = arith.constant 0 : i32
    %dma_start3A_38 = tpu.memref_slice %arg2[%dma_start3A_36, %dma_start3A_37] : memref<500000x128xf32, #tpu.memory_space<hbm>> -> memref<500000x128xf32, #tpu.memory_space<hbm>>
    tpu.enqueue_indirect_dma source(%dma_start3A_38 : memref<500000x128xf32, #tpu.memory_space<hbm>>) target(%dma_start3A_32 : memref<128x128xf32, #tpu.memory_space<vmem>>) offsets(%dma_start3A_35 : memref<128xi32, #tpu.memory_space<vmem>>) semaphore(%arg7 : memref<!tpu.dma_semaphore, #tpu.memory_space<semaphore_mem>>)
    %add3A_39 = arith.constant 0 : i32
    %add3A_40 = arith.addi %mul3A_2, %add3A_39 : i32
    %run_scoped3A = arith.constant 0 : i32
    "tpu.region"() ({
      %run_scoped3A_218 = tpu.sem_alloc : memref<!tpu.dma_semaphore, #tpu.memory_space<semaphore_mem>>
      %dma_start3A_219 = arith.constant 0 : i32
      %dma_start3A_220 = arith.constant 0 : i32
      %dma_start3A_221 = tpu.memref_slice %arg6[%run_scoped3A, %dma_start3A_219, %dma_start3A_220] : memref<2x128x128xf32, #tpu.memory_space<vmem>> -> memref<1x128x128xf32, #tpu.memory_space<vmem>>
      %dma_start3A_222 = tpu.memref_squeeze %dma_start3A_221 : memref<1x128x128xf32, #tpu.memory_space<vmem>> -> memref<128x128xf32, #tpu.memory_space<vmem>>
      %dma_start3A_223 = arith.constant 0 : i32
      %dma_start3A_224 = tpu.memref_slice %arg4[%add3A_40, %dma_start3A_223] : memref<32768x128xf32, #tpu.memory_space<hbm>> -> memref<128x128xf32, #tpu.memory_space<hbm>>
      %dma_start3A_225 = arith.constant 0 : i32
      %dma_start3A_226 = tpu.memref_slice %arg4[%add3A_40, %dma_start3A_225] : memref<32768x128xf32, #tpu.memory_space<hbm>> -> memref<128x128xf32, #tpu.memory_space<hbm>>
      %dma_start3A_227 = arith.constant 0 : i32
      %dma_start3A_228 = arith.constant 0 : i32
      %dma_start3A_229 = tpu.memref_slice %arg6[%run_scoped3A, %dma_start3A_227, %dma_start3A_228] : memref<2x128x128xf32, #tpu.memory_space<vmem>> -> memref<1x128x128xf32, #tpu.memory_space<vmem>>
      %dma_start3A_230 = tpu.memref_squeeze %dma_start3A_229 : memref<1x128x128xf32, #tpu.memory_space<vmem>> -> memref<128x128xf32, #tpu.memory_space<vmem>>
      tpu.enqueue_dma source(%dma_start3A_230 : memref<128x128xf32, #tpu.memory_space<vmem>>) target(%dma_start3A_226 : memref<128x128xf32, #tpu.memory_space<hbm>>) target_semaphore(%run_scoped3A_218 : memref<!tpu.dma_semaphore, #tpu.memory_space<semaphore_mem>>)
      %dma_wait3A_231 = arith.constant 0 : i32
      %dma_wait3A_232 = arith.constant 0 : i32
      %dma_wait3A_233 = tpu.memref_slice %arg6[%run_scoped3A, %dma_wait3A_231, %dma_wait3A_232] : memref<2x128x128xf32, #tpu.memory_space<vmem>> -> memref<1x128x128xf32, #tpu.memory_space<vmem>>
      %dma_wait3A_234 = tpu.memref_squeeze %dma_wait3A_233 : memref<1x128x128xf32, #tpu.memory_space<vmem>> -> memref<128x128xf32, #tpu.memory_space<vmem>>
      %dma_wait3A_235 = arith.constant 0 : i32
      %dma_wait3A_236 = tpu.memref_slice %arg4[%add3A_40, %dma_wait3A_235] : memref<32768x128xf32, #tpu.memory_space<hbm>> -> memref<128x128xf32, #tpu.memory_space<hbm>>
      %dma_wait3A_237 = arith.constant 0 : i32
      %dma_wait3A_238 = tpu.memref_slice %arg4[%add3A_40, %dma_wait3A_237] : memref<32768x128xf32, #tpu.memory_space<hbm>> -> memref<128x128xf32, #tpu.memory_space<hbm>>
      %dma_wait3A_239 = arith.constant 0 : i32
      %dma_wait3A_240 = arith.constant 0 : i32
      %dma_wait3A_241 = tpu.memref_slice %arg6[%run_scoped3A, %dma_wait3A_239, %dma_wait3A_240] : memref<2x128x128xf32, #tpu.memory_space<vmem>> -> memref<1x128x128xf32, #tpu.memory_space<vmem>>
      %dma_wait3A_242 = tpu.memref_squeeze %dma_wait3A_241 : memref<1x128x128xf32, #tpu.memory_space<vmem>> -> memref<128x128xf32, #tpu.memory_space<vmem>>
      tpu.wait_dma2 semaphore(%run_scoped3A_218 : memref<!tpu.dma_semaphore, #tpu.memory_space<semaphore_mem>>) src(%dma_wait3A_242 : memref<128x128xf32, #tpu.memory_space<vmem>>) dst(%dma_wait3A_238 : memref<128x128xf32, #tpu.memory_space<hbm>>)
      tpu.yield
    }) : () -> ()
    %dma_wait3A_41 = arith.constant 1 : i32
    %dma_wait3A_42 = arith.constant 1 : i32
    %dma_wait3A_43 = arith.constant 0 : i32
    %dma_wait3A_44 = arith.constant 0 : i32
    %dma_wait3A_45 = tpu.memref_slice %arg6[%dma_wait3A_42, %dma_wait3A_43, %dma_wait3A_44] : memref<2x128x128xf32, #tpu.memory_space<vmem>> -> memref<1x128x128xf32, #tpu.memory_space<vmem>>
    %dma_wait3A_46 = tpu.memref_squeeze %dma_wait3A_45 : memref<1x128x128xf32, #tpu.memory_space<vmem>> -> memref<128x128xf32, #tpu.memory_space<vmem>>
    %dma_wait3A_47 = arith.constant 0 : i32
    %dma_wait3A_48 = tpu.memref_slice %arg5[%dma_wait3A_41, %dma_wait3A_47] : memref<8x128xi32, #tpu.memory_space<vmem>> -> memref<1x128xi32, #tpu.memory_space<vmem>>
    %dma_wait3A_49 = tpu.memref_squeeze %dma_wait3A_48 : memref<1x128xi32, #tpu.memory_space<vmem>> -> memref<128xi32, #tpu.memory_space<vmem>>
    %dma_wait3A_50 = arith.constant 0 : i32
    %dma_wait3A_51 = arith.constant 0 : i32
    %dma_wait3A_52 = tpu.memref_slice %arg2[%dma_wait3A_50, %dma_wait3A_51] : memref<500000x128xf32, #tpu.memory_space<hbm>> -> memref<500000x128xf32, #tpu.memory_space<hbm>>
    tpu.wait_indirect_dma semaphore(%arg7 : memref<!tpu.dma_semaphore, #tpu.memory_space<semaphore_mem>>) src(%dma_wait3A_52 : memref<500000x128xf32, #tpu.memory_space<hbm>>) dst(%dma_wait3A_46 : memref<128x128xf32, #tpu.memory_space<vmem>>)
    %dma_start3A_53 = arith.constant 2 : i32
    %dma_start3A_54 = arith.constant 0 : i32
    %dma_start3A_55 = arith.constant 0 : i32
    %dma_start3A_56 = arith.constant 0 : i32
    %dma_start3A_57 = tpu.memref_slice %arg6[%dma_start3A_54, %dma_start3A_55, %dma_start3A_56] : memref<2x128x128xf32, #tpu.memory_space<vmem>> -> memref<1x128x128xf32, #tpu.memory_space<vmem>>
    %dma_start3A_58 = tpu.memref_squeeze %dma_start3A_57 : memref<1x128x128xf32, #tpu.memory_space<vmem>> -> memref<128x128xf32, #tpu.memory_space<vmem>>
    %dma_start3A_59 = arith.constant 0 : i32
    %dma_start3A_60 = tpu.memref_slice %arg5[%dma_start3A_53, %dma_start3A_59] : memref<8x128xi32, #tpu.memory_space<vmem>> -> memref<1x128xi32, #tpu.memory_space<vmem>>
    %dma_start3A_61 = tpu.memref_squeeze %dma_start3A_60 : memref<1x128xi32, #tpu.memory_space<vmem>> -> memref<128xi32, #tpu.memory_space<vmem>>
    %dma_start3A_62 = arith.constant 0 : i32
    %dma_start3A_63 = arith.constant 0 : i32
    %dma_start3A_64 = tpu.memref_slice %arg2[%dma_start3A_62, %dma_start3A_63] : memref<500000x128xf32, #tpu.memory_space<hbm>> -> memref<500000x128xf32, #tpu.memory_space<hbm>>
    tpu.enqueue_indirect_dma source(%dma_start3A_64 : memref<500000x128xf32, #tpu.memory_space<hbm>>) target(%dma_start3A_58 : memref<128x128xf32, #tpu.memory_space<vmem>>) offsets(%dma_start3A_61 : memref<128xi32, #tpu.memory_space<vmem>>) semaphore(%arg7 : memref<!tpu.dma_semaphore, #tpu.memory_space<semaphore_mem>>)
    %add3A_65 = arith.constant 128 : i32
    %add3A_66 = arith.addi %mul3A_2, %add3A_65 : i32
    %run_scoped3A_67 = arith.constant 1 : i32
    "tpu.region"() ({
      %run_scoped3A_218 = tpu.sem_alloc : memref<!tpu.dma_semaphore, #tpu.memory_space<semaphore_mem>>
      %dma_start3A_219 = arith.constant 0 : i32
      %dma_start3A_220 = arith.constant 0 : i32
      %dma_start3A_221 = tpu.memref_slice %arg6[%run_scoped3A_67, %dma_start3A_219, %dma_start3A_220] : memref<2x128x128xf32, #tpu.memory_space<vmem>> -> memref<1x128x128xf32, #tpu.memory_space<vmem>>
      %dma_start3A_222 = tpu.memref_squeeze %dma_start3A_221 : memref<1x128x128xf32, #tpu.memory_space<vmem>> -> memref<128x128xf32, #tpu.memory_space<vmem>>
      %dma_start3A_223 = arith.constant 0 : i32
      %dma_start3A_224 = tpu.memref_slice %arg4[%add3A_66, %dma_start3A_223] : memref<32768x128xf32, #tpu.memory_space<hbm>> -> memref<128x128xf32, #tpu.memory_space<hbm>>
      %dma_start3A_225 = arith.constant 0 : i32
      %dma_start3A_226 = tpu.memref_slice %arg4[%add3A_66, %dma_start3A_225] : memref<32768x128xf32, #tpu.memory_space<hbm>> -> memref<128x128xf32, #tpu.memory_space<hbm>>
      %dma_start3A_227 = arith.constant 0 : i32
      %dma_start3A_228 = arith.constant 0 : i32
      %dma_start3A_229 = tpu.memref_slice %arg6[%run_scoped3A_67, %dma_start3A_227, %dma_start3A_228] : memref<2x128x128xf32, #tpu.memory_space<vmem>> -> memref<1x128x128xf32, #tpu.memory_space<vmem>>
      %dma_start3A_230 = tpu.memref_squeeze %dma_start3A_229 : memref<1x128x128xf32, #tpu.memory_space<vmem>> -> memref<128x128xf32, #tpu.memory_space<vmem>>
      tpu.enqueue_dma source(%dma_start3A_230 : memref<128x128xf32, #tpu.memory_space<vmem>>) target(%dma_start3A_226 : memref<128x128xf32, #tpu.memory_space<hbm>>) target_semaphore(%run_scoped3A_218 : memref<!tpu.dma_semaphore, #tpu.memory_space<semaphore_mem>>)
      %dma_wait3A_231 = arith.constant 0 : i32
      %dma_wait3A_232 = arith.constant 0 : i32
      %dma_wait3A_233 = tpu.memref_slice %arg6[%run_scoped3A_67, %dma_wait3A_231, %dma_wait3A_232] : memref<2x128x128xf32, #tpu.memory_space<vmem>> -> memref<1x128x128xf32, #tpu.memory_space<vmem>>
      %dma_wait3A_234 = tpu.memref_squeeze %dma_wait3A_233 : memref<1x128x128xf32, #tpu.memory_space<vmem>> -> memref<128x128xf32, #tpu.memory_space<vmem>>
      %dma_wait3A_235 = arith.constant 0 : i32
      %dma_wait3A_236 = tpu.memref_slice %arg4[%add3A_66, %dma_wait3A_235] : memref<32768x128xf32, #tpu.memory_space<hbm>> -> memref<128x128xf32, #tpu.memory_space<hbm>>
      %dma_wait3A_237 = arith.constant 0 : i32
      %dma_wait3A_238 = tpu.memref_slice %arg4[%add3A_66, %dma_wait3A_237] : memref<32768x128xf32, #tpu.memory_space<hbm>> -> memref<128x128xf32, #tpu.memory_space<hbm>>
      %dma_wait3A_239 = arith.constant 0 : i32
      %dma_wait3A_240 = arith.constant 0 : i32
      %dma_wait3A_241 = tpu.memref_slice %arg6[%run_scoped3A_67, %dma_wait3A_239, %dma_wait3A_240] : memref<2x128x128xf32, #tpu.memory_space<vmem>> -> memref<1x128x128xf32, #tpu.memory_space<vmem>>
      %dma_wait3A_242 = tpu.memref_squeeze %dma_wait3A_241 : memref<1x128x128xf32, #tpu.memory_space<vmem>> -> memref<128x128xf32, #tpu.memory_space<vmem>>
      tpu.wait_dma2 semaphore(%run_scoped3A_218 : memref<!tpu.dma_semaphore, #tpu.memory_space<semaphore_mem>>) src(%dma_wait3A_242 : memref<128x128xf32, #tpu.memory_space<vmem>>) dst(%dma_wait3A_238 : memref<128x128xf32, #tpu.memory_space<hbm>>)
      tpu.yield
    }) : () -> ()
    %dma_wait3A_68 = arith.constant 2 : i32
    %dma_wait3A_69 = arith.constant 0 : i32
    %dma_wait3A_70 = arith.constant 0 : i32
    %dma_wait3A_71 = arith.constant 0 : i32
    %dma_wait3A_72 = tpu.memref_slice %arg6[%dma_wait3A_69, %dma_wait3A_70, %dma_wait3A_71] : memref<2x128x128xf32, #tpu.memory_space<vmem>> -> memref<1x128x128xf32, #tpu.memory_space<vmem>>
    %dma_wait3A_73 = tpu.memref_squeeze %dma_wait3A_72 : memref<1x128x128xf32, #tpu.memory_space<vmem>> -> memref<128x128xf32, #tpu.memory_space<vmem>>
    %dma_wait3A_74 = arith.constant 0 : i32
    %dma_wait3A_75 = tpu.memref_slice %arg5[%dma_wait3A_68, %dma_wait3A_74] : memref<8x128xi32, #tpu.memory_space<vmem>> -> memref<1x128xi32, #tpu.memory_space<vmem>>
    %dma_wait3A_76 = tpu.memref_squeeze %dma_wait3A_75 : memref<1x128xi32, #tpu.memory_space<vmem>> -> memref<128xi32, #tpu.memory_space<vmem>>
    %dma_wait3A_77 = arith.constant 0 : i32
    %dma_wait3A_78 = arith.constant 0 : i32
    %dma_wait3A_79 = tpu.memref_slice %arg2[%dma_wait3A_77, %dma_wait3A_78] : memref<500000x128xf32, #tpu.memory_space<hbm>> -> memref<500000x128xf32, #tpu.memory_space<hbm>>
    tpu.wait_indirect_dma semaphore(%arg7 : memref<!tpu.dma_semaphore, #tpu.memory_space<semaphore_mem>>) src(%dma_wait3A_79 : memref<500000x128xf32, #tpu.memory_space<hbm>>) dst(%dma_wait3A_73 : memref<128x128xf32, #tpu.memory_space<vmem>>)
    %dma_start3A_80 = arith.constant 3 : i32
    %dma_start3A_81 = arith.constant 1 : i32
    %dma_start3A_82 = arith.constant 0 : i32
    %dma_start3A_83 = arith.constant 0 : i32
    %dma_start3A_84 = tpu.memref_slice %arg6[%dma_start3A_81, %dma_start3A_82, %dma_start3A_83] : memref<2x128x128xf32, #tpu.memory_space<vmem>> -> memref<1x128x128xf32, #tpu.memory_space<vmem>>
    %dma_start3A_85 = tpu.memref_squeeze %dma_start3A_84 : memref<1x128x128xf32, #tpu.memory_space<vmem>> -> memref<128x128xf32, #tpu.memory_space<vmem>>
    %dma_start3A_86 = arith.constant 0 : i32
    %dma_start3A_87 = tpu.memref_slice %arg5[%dma_start3A_80, %dma_start3A_86] : memref<8x128xi32, #tpu.memory_space<vmem>> -> memref<1x128xi32, #tpu.memory_space<vmem>>
    %dma_start3A_88 = tpu.memref_squeeze %dma_start3A_87 : memref<1x128xi32, #tpu.memory_space<vmem>> -> memref<128xi32, #tpu.memory_space<vmem>>
    %dma_start3A_89 = arith.constant 0 : i32
    %dma_start3A_90 = arith.constant 0 : i32
    %dma_start3A_91 = tpu.memref_slice %arg2[%dma_start3A_89, %dma_start3A_90] : memref<500000x128xf32, #tpu.memory_space<hbm>> -> memref<500000x128xf32, #tpu.memory_space<hbm>>
    tpu.enqueue_indirect_dma source(%dma_start3A_91 : memref<500000x128xf32, #tpu.memory_space<hbm>>) target(%dma_start3A_85 : memref<128x128xf32, #tpu.memory_space<vmem>>) offsets(%dma_start3A_88 : memref<128xi32, #tpu.memory_space<vmem>>) semaphore(%arg7 : memref<!tpu.dma_semaphore, #tpu.memory_space<semaphore_mem>>)
    %add3A_92 = arith.constant 256 : i32
    %add3A_93 = arith.addi %mul3A_2, %add3A_92 : i32
    %run_scoped3A_94 = arith.constant 0 : i32
    "tpu.region"() ({
      %run_scoped3A_218 = tpu.sem_alloc : memref<!tpu.dma_semaphore, #tpu.memory_space<semaphore_mem>>
      %dma_start3A_219 = arith.constant 0 : i32
      %dma_start3A_220 = arith.constant 0 : i32
      %dma_start3A_221 = tpu.memref_slice %arg6[%run_scoped3A_94, %dma_start3A_219, %dma_start3A_220] : memref<2x128x128xf32, #tpu.memory_space<vmem>> -> memref<1x128x128xf32, #tpu.memory_space<vmem>>
      %dma_start3A_222 = tpu.memref_squeeze %dma_start3A_221 : memref<1x128x128xf32, #tpu.memory_space<vmem>> -> memref<128x128xf32, #tpu.memory_space<vmem>>
      %dma_start3A_223 = arith.constant 0 : i32
      %dma_start3A_224 = tpu.memref_slice %arg4[%add3A_93, %dma_start3A_223] : memref<32768x128xf32, #tpu.memory_space<hbm>> -> memref<128x128xf32, #tpu.memory_space<hbm>>
      %dma_start3A_225 = arith.constant 0 : i32
      %dma_start3A_226 = tpu.memref_slice %arg4[%add3A_93, %dma_start3A_225] : memref<32768x128xf32, #tpu.memory_space<hbm>> -> memref<128x128xf32, #tpu.memory_space<hbm>>
      %dma_start3A_227 = arith.constant 0 : i32
      %dma_start3A_228 = arith.constant 0 : i32
      %dma_start3A_229 = tpu.memref_slice %arg6[%run_scoped3A_94, %dma_start3A_227, %dma_start3A_228] : memref<2x128x128xf32, #tpu.memory_space<vmem>> -> memref<1x128x128xf32, #tpu.memory_space<vmem>>
      %dma_start3A_230 = tpu.memref_squeeze %dma_start3A_229 : memref<1x128x128xf32, #tpu.memory_space<vmem>> -> memref<128x128xf32, #tpu.memory_space<vmem>>
      tpu.enqueue_dma source(%dma_start3A_230 : memref<128x128xf32, #tpu.memory_space<vmem>>) target(%dma_start3A_226 : memref<128x128xf32, #tpu.memory_space<hbm>>) target_semaphore(%run_scoped3A_218 : memref<!tpu.dma_semaphore, #tpu.memory_space<semaphore_mem>>)
      %dma_wait3A_231 = arith.constant 0 : i32
      %dma_wait3A_232 = arith.constant 0 : i32
      %dma_wait3A_233 = tpu.memref_slice %arg6[%run_scoped3A_94, %dma_wait3A_231, %dma_wait3A_232] : memref<2x128x128xf32, #tpu.memory_space<vmem>> -> memref<1x128x128xf32, #tpu.memory_space<vmem>>
      %dma_wait3A_234 = tpu.memref_squeeze %dma_wait3A_233 : memref<1x128x128xf32, #tpu.memory_space<vmem>> -> memref<128x128xf32, #tpu.memory_space<vmem>>
      %dma_wait3A_235 = arith.constant 0 : i32
      %dma_wait3A_236 = tpu.memref_slice %arg4[%add3A_93, %dma_wait3A_235] : memref<32768x128xf32, #tpu.memory_space<hbm>> -> memref<128x128xf32, #tpu.memory_space<hbm>>
      %dma_wait3A_237 = arith.constant 0 : i32
      %dma_wait3A_238 = tpu.memref_slice %arg4[%add3A_93, %dma_wait3A_237] : memref<32768x128xf32, #tpu.memory_space<hbm>> -> memref<128x128xf32, #tpu.memory_space<hbm>>
      %dma_wait3A_239 = arith.constant 0 : i32
      %dma_wait3A_240 = arith.constant 0 : i32
      %dma_wait3A_241 = tpu.memref_slice %arg6[%run_scoped3A_94, %dma_wait3A_239, %dma_wait3A_240] : memref<2x128x128xf32, #tpu.memory_space<vmem>> -> memref<1x128x128xf32, #tpu.memory_space<vmem>>
      %dma_wait3A_242 = tpu.memref_squeeze %dma_wait3A_241 : memref<1x128x128xf32, #tpu.memory_space<vmem>> -> memref<128x128xf32, #tpu.memory_space<vmem>>
      tpu.wait_dma2 semaphore(%run_scoped3A_218 : memref<!tpu.dma_semaphore, #tpu.memory_space<semaphore_mem>>) src(%dma_wait3A_242 : memref<128x128xf32, #tpu.memory_space<vmem>>) dst(%dma_wait3A_238 : memref<128x128xf32, #tpu.memory_space<hbm>>)
      tpu.yield
    }) : () -> ()
    %dma_wait3A_95 = arith.constant 3 : i32
    %dma_wait3A_96 = arith.constant 1 : i32
    %dma_wait3A_97 = arith.constant 0 : i32
    %dma_wait3A_98 = arith.constant 0 : i32
    %dma_wait3A_99 = tpu.memref_slice %arg6[%dma_wait3A_96, %dma_wait3A_97, %dma_wait3A_98] : memref<2x128x128xf32, #tpu.memory_space<vmem>> -> memref<1x128x128xf32, #tpu.memory_space<vmem>>
    %dma_wait3A_100 = tpu.memref_squeeze %dma_wait3A_99 : memref<1x128x128xf32, #tpu.memory_space<vmem>> -> memref<128x128xf32, #tpu.memory_space<vmem>>
    %dma_wait3A_101 = arith.constant 0 : i32
    %dma_wait3A_102 = tpu.memref_slice %arg5[%dma_wait3A_95, %dma_wait3A_101] : memref<8x128xi32, #tpu.memory_space<vmem>> -> memref<1x128xi32, #tpu.memory_space<vmem>>
    %dma_wait3A_103 = tpu.memref_squeeze %dma_wait3A_102 : memref<1x128xi32, #tpu.memory_space<vmem>> -> memref<128xi32, #tpu.memory_space<vmem>>
    %dma_wait3A_104 = arith.constant 0 : i32
    %dma_wait3A_105 = arith.constant 0 : i32
    %dma_wait3A_106 = tpu.memref_slice %arg2[%dma_wait3A_104, %dma_wait3A_105] : memref<500000x128xf32, #tpu.memory_space<hbm>> -> memref<500000x128xf32, #tpu.memory_space<hbm>>
    tpu.wait_indirect_dma semaphore(%arg7 : memref<!tpu.dma_semaphore, #tpu.memory_space<semaphore_mem>>) src(%dma_wait3A_106 : memref<500000x128xf32, #tpu.memory_space<hbm>>) dst(%dma_wait3A_100 : memref<128x128xf32, #tpu.memory_space<vmem>>)
    %dma_start3A_107 = arith.constant 4 : i32
    %dma_start3A_108 = arith.constant 0 : i32
    %dma_start3A_109 = arith.constant 0 : i32
    %dma_start3A_110 = arith.constant 0 : i32
    %dma_start3A_111 = tpu.memref_slice %arg6[%dma_start3A_108, %dma_start3A_109, %dma_start3A_110] : memref<2x128x128xf32, #tpu.memory_space<vmem>> -> memref<1x128x128xf32, #tpu.memory_space<vmem>>
    %dma_start3A_112 = tpu.memref_squeeze %dma_start3A_111 : memref<1x128x128xf32, #tpu.memory_space<vmem>> -> memref<128x128xf32, #tpu.memory_space<vmem>>
    %dma_start3A_113 = arith.constant 0 : i32
    %dma_start3A_114 = tpu.memref_slice %arg5[%dma_start3A_107, %dma_start3A_113] : memref<8x128xi32, #tpu.memory_space<vmem>> -> memref<1x128xi32, #tpu.memory_space<vmem>>
    %dma_start3A_115 = tpu.memref_squeeze %dma_start3A_114 : memref<1x128xi32, #tpu.memory_space<vmem>> -> memref<128xi32, #tpu.memory_space<vmem>>
    %dma_start3A_116 = arith.constant 0 : i32
    %dma_start3A_117 = arith.constant 0 : i32
    %dma_start3A_118 = tpu.memref_slice %arg2[%dma_start3A_116, %dma_start3A_117] : memref<500000x128xf32, #tpu.memory_space<hbm>> -> memref<500000x128xf32, #tpu.memory_space<hbm>>
    tpu.enqueue_indirect_dma source(%dma_start3A_118 : memref<500000x128xf32, #tpu.memory_space<hbm>>) target(%dma_start3A_112 : memref<128x128xf32, #tpu.memory_space<vmem>>) offsets(%dma_start3A_115 : memref<128xi32, #tpu.memory_space<vmem>>) semaphore(%arg7 : memref<!tpu.dma_semaphore, #tpu.memory_space<semaphore_mem>>)
    %add3A_119 = arith.constant 384 : i32
    %add3A_120 = arith.addi %mul3A_2, %add3A_119 : i32
    %run_scoped3A_121 = arith.constant 1 : i32
    "tpu.region"() ({
      %run_scoped3A_218 = tpu.sem_alloc : memref<!tpu.dma_semaphore, #tpu.memory_space<semaphore_mem>>
      %dma_start3A_219 = arith.constant 0 : i32
      %dma_start3A_220 = arith.constant 0 : i32
      %dma_start3A_221 = tpu.memref_slice %arg6[%run_scoped3A_121, %dma_start3A_219, %dma_start3A_220] : memref<2x128x128xf32, #tpu.memory_space<vmem>> -> memref<1x128x128xf32, #tpu.memory_space<vmem>>
      %dma_start3A_222 = tpu.memref_squeeze %dma_start3A_221 : memref<1x128x128xf32, #tpu.memory_space<vmem>> -> memref<128x128xf32, #tpu.memory_space<vmem>>
      %dma_start3A_223 = arith.constant 0 : i32
      %dma_start3A_224 = tpu.memref_slice %arg4[%add3A_120, %dma_start3A_223] : memref<32768x128xf32, #tpu.memory_space<hbm>> -> memref<128x128xf32, #tpu.memory_space<hbm>>
      %dma_start3A_225 = arith.constant 0 : i32
      %dma_start3A_226 = tpu.memref_slice %arg4[%add3A_120, %dma_start3A_225] : memref<32768x128xf32, #tpu.memory_space<hbm>> -> memref<128x128xf32, #tpu.memory_space<hbm>>
      %dma_start3A_227 = arith.constant 0 : i32
      %dma_start3A_228 = arith.constant 0 : i32
      %dma_start3A_229 = tpu.memref_slice %arg6[%run_scoped3A_121, %dma_start3A_227, %dma_start3A_228] : memref<2x128x128xf32, #tpu.memory_space<vmem>> -> memref<1x128x128xf32, #tpu.memory_space<vmem>>
      %dma_start3A_230 = tpu.memref_squeeze %dma_start3A_229 : memref<1x128x128xf32, #tpu.memory_space<vmem>> -> memref<128x128xf32, #tpu.memory_space<vmem>>
      tpu.enqueue_dma source(%dma_start3A_230 : memref<128x128xf32, #tpu.memory_space<vmem>>) target(%dma_start3A_226 : memref<128x128xf32, #tpu.memory_space<hbm>>) target_semaphore(%run_scoped3A_218 : memref<!tpu.dma_semaphore, #tpu.memory_space<semaphore_mem>>)
      %dma_wait3A_231 = arith.constant 0 : i32
      %dma_wait3A_232 = arith.constant 0 : i32
      %dma_wait3A_233 = tpu.memref_slice %arg6[%run_scoped3A_121, %dma_wait3A_231, %dma_wait3A_232] : memref<2x128x128xf32, #tpu.memory_space<vmem>> -> memref<1x128x128xf32, #tpu.memory_space<vmem>>
      %dma_wait3A_234 = tpu.memref_squeeze %dma_wait3A_233 : memref<1x128x128xf32, #tpu.memory_space<vmem>> -> memref<128x128xf32, #tpu.memory_space<vmem>>
      %dma_wait3A_235 = arith.constant 0 : i32
      %dma_wait3A_236 = tpu.memref_slice %arg4[%add3A_120, %dma_wait3A_235] : memref<32768x128xf32, #tpu.memory_space<hbm>> -> memref<128x128xf32, #tpu.memory_space<hbm>>
      %dma_wait3A_237 = arith.constant 0 : i32
      %dma_wait3A_238 = tpu.memref_slice %arg4[%add3A_120, %dma_wait3A_237] : memref<32768x128xf32, #tpu.memory_space<hbm>> -> memref<128x128xf32, #tpu.memory_space<hbm>>
      %dma_wait3A_239 = arith.constant 0 : i32
      %dma_wait3A_240 = arith.constant 0 : i32
      %dma_wait3A_241 = tpu.memref_slice %arg6[%run_scoped3A_121, %dma_wait3A_239, %dma_wait3A_240] : memref<2x128x128xf32, #tpu.memory_space<vmem>> -> memref<1x128x128xf32, #tpu.memory_space<vmem>>
      %dma_wait3A_242 = tpu.memref_squeeze %dma_wait3A_241 : memref<1x128x128xf32, #tpu.memory_space<vmem>> -> memref<128x128xf32, #tpu.memory_space<vmem>>
      tpu.wait_dma2 semaphore(%run_scoped3A_218 : memref<!tpu.dma_semaphore, #tpu.memory_space<semaphore_mem>>) src(%dma_wait3A_242 : memref<128x128xf32, #tpu.memory_space<vmem>>) dst(%dma_wait3A_238 : memref<128x128xf32, #tpu.memory_space<hbm>>)
      tpu.yield
    }) : () -> ()
    %dma_wait3A_122 = arith.constant 4 : i32
    %dma_wait3A_123 = arith.constant 0 : i32
    %dma_wait3A_124 = arith.constant 0 : i32
    %dma_wait3A_125 = arith.constant 0 : i32
    %dma_wait3A_126 = tpu.memref_slice %arg6[%dma_wait3A_123, %dma_wait3A_124, %dma_wait3A_125] : memref<2x128x128xf32, #tpu.memory_space<vmem>> -> memref<1x128x128xf32, #tpu.memory_space<vmem>>
    %dma_wait3A_127 = tpu.memref_squeeze %dma_wait3A_126 : memref<1x128x128xf32, #tpu.memory_space<vmem>> -> memref<128x128xf32, #tpu.memory_space<vmem>>
    %dma_wait3A_128 = arith.constant 0 : i32
    %dma_wait3A_129 = tpu.memref_slice %arg5[%dma_wait3A_122, %dma_wait3A_128] : memref<8x128xi32, #tpu.memory_space<vmem>> -> memref<1x128xi32, #tpu.memory_space<vmem>>
    %dma_wait3A_130 = tpu.memref_squeeze %dma_wait3A_129 : memref<1x128xi32, #tpu.memory_space<vmem>> -> memref<128xi32, #tpu.memory_space<vmem>>
    %dma_wait3A_131 = arith.constant 0 : i32
    %dma_wait3A_132 = arith.constant 0 : i32
    %dma_wait3A_133 = tpu.memref_slice %arg2[%dma_wait3A_131, %dma_wait3A_132] : memref<500000x128xf32, #tpu.memory_space<hbm>> -> memref<500000x128xf32, #tpu.memory_space<hbm>>
    tpu.wait_indirect_dma semaphore(%arg7 : memref<!tpu.dma_semaphore, #tpu.memory_space<semaphore_mem>>) src(%dma_wait3A_133 : memref<500000x128xf32, #tpu.memory_space<hbm>>) dst(%dma_wait3A_127 : memref<128x128xf32, #tpu.memory_space<vmem>>)
    %dma_start3A_134 = arith.constant 5 : i32
    %dma_start3A_135 = arith.constant 1 : i32
    %dma_start3A_136 = arith.constant 0 : i32
    %dma_start3A_137 = arith.constant 0 : i32
    %dma_start3A_138 = tpu.memref_slice %arg6[%dma_start3A_135, %dma_start3A_136, %dma_start3A_137] : memref<2x128x128xf32, #tpu.memory_space<vmem>> -> memref<1x128x128xf32, #tpu.memory_space<vmem>>
    %dma_start3A_139 = tpu.memref_squeeze %dma_start3A_138 : memref<1x128x128xf32, #tpu.memory_space<vmem>> -> memref<128x128xf32, #tpu.memory_space<vmem>>
    %dma_start3A_140 = arith.constant 0 : i32
    %dma_start3A_141 = tpu.memref_slice %arg5[%dma_start3A_134, %dma_start3A_140] : memref<8x128xi32, #tpu.memory_space<vmem>> -> memref<1x128xi32, #tpu.memory_space<vmem>>
    %dma_start3A_142 = tpu.memref_squeeze %dma_start3A_141 : memref<1x128xi32, #tpu.memory_space<vmem>> -> memref<128xi32, #tpu.memory_space<vmem>>
    %dma_start3A_143 = arith.constant 0 : i32
    %dma_start3A_144 = arith.constant 0 : i32
    %dma_start3A_145 = tpu.memref_slice %arg2[%dma_start3A_143, %dma_start3A_144] : memref<500000x128xf32, #tpu.memory_space<hbm>> -> memref<500000x128xf32, #tpu.memory_space<hbm>>
    tpu.enqueue_indirect_dma source(%dma_start3A_145 : memref<500000x128xf32, #tpu.memory_space<hbm>>) target(%dma_start3A_139 : memref<128x128xf32, #tpu.memory_space<vmem>>) offsets(%dma_start3A_142 : memref<128xi32, #tpu.memory_space<vmem>>) semaphore(%arg7 : memref<!tpu.dma_semaphore, #tpu.memory_space<semaphore_mem>>)
    %add3A_146 = arith.constant 512 : i32
    %add3A_147 = arith.addi %mul3A_2, %add3A_146 : i32
    %run_scoped3A_148 = arith.constant 0 : i32
    "tpu.region"() ({
      %run_scoped3A_218 = tpu.sem_alloc : memref<!tpu.dma_semaphore, #tpu.memory_space<semaphore_mem>>
      %dma_start3A_219 = arith.constant 0 : i32
      %dma_start3A_220 = arith.constant 0 : i32
      %dma_start3A_221 = tpu.memref_slice %arg6[%run_scoped3A_148, %dma_start3A_219, %dma_start3A_220] : memref<2x128x128xf32, #tpu.memory_space<vmem>> -> memref<1x128x128xf32, #tpu.memory_space<vmem>>
      %dma_start3A_222 = tpu.memref_squeeze %dma_start3A_221 : memref<1x128x128xf32, #tpu.memory_space<vmem>> -> memref<128x128xf32, #tpu.memory_space<vmem>>
      %dma_start3A_223 = arith.constant 0 : i32
      %dma_start3A_224 = tpu.memref_slice %arg4[%add3A_147, %dma_start3A_223] : memref<32768x128xf32, #tpu.memory_space<hbm>> -> memref<128x128xf32, #tpu.memory_space<hbm>>
      %dma_start3A_225 = arith.constant 0 : i32
      %dma_start3A_226 = tpu.memref_slice %arg4[%add3A_147, %dma_start3A_225] : memref<32768x128xf32, #tpu.memory_space<hbm>> -> memref<128x128xf32, #tpu.memory_space<hbm>>
      %dma_start3A_227 = arith.constant 0 : i32
      %dma_start3A_228 = arith.constant 0 : i32
      %dma_start3A_229 = tpu.memref_slice %arg6[%run_scoped3A_148, %dma_start3A_227, %dma_start3A_228] : memref<2x128x128xf32, #tpu.memory_space<vmem>> -> memref<1x128x128xf32, #tpu.memory_space<vmem>>
      %dma_start3A_230 = tpu.memref_squeeze %dma_start3A_229 : memref<1x128x128xf32, #tpu.memory_space<vmem>> -> memref<128x128xf32, #tpu.memory_space<vmem>>
      tpu.enqueue_dma source(%dma_start3A_230 : memref<128x128xf32, #tpu.memory_space<vmem>>) target(%dma_start3A_226 : memref<128x128xf32, #tpu.memory_space<hbm>>) target_semaphore(%run_scoped3A_218 : memref<!tpu.dma_semaphore, #tpu.memory_space<semaphore_mem>>)
      %dma_wait3A_231 = arith.constant 0 : i32
      %dma_wait3A_232 = arith.constant 0 : i32
      %dma_wait3A_233 = tpu.memref_slice %arg6[%run_scoped3A_148, %dma_wait3A_231, %dma_wait3A_232] : memref<2x128x128xf32, #tpu.memory_space<vmem>> -> memref<1x128x128xf32, #tpu.memory_space<vmem>>
      %dma_wait3A_234 = tpu.memref_squeeze %dma_wait3A_233 : memref<1x128x128xf32, #tpu.memory_space<vmem>> -> memref<128x128xf32, #tpu.memory_space<vmem>>
      %dma_wait3A_235 = arith.constant 0 : i32
      %dma_wait3A_236 = tpu.memref_slice %arg4[%add3A_147, %dma_wait3A_235] : memref<32768x128xf32, #tpu.memory_space<hbm>> -> memref<128x128xf32, #tpu.memory_space<hbm>>
      %dma_wait3A_237 = arith.constant 0 : i32
      %dma_wait3A_238 = tpu.memref_slice %arg4[%add3A_147, %dma_wait3A_237] : memref<32768x128xf32, #tpu.memory_space<hbm>> -> memref<128x128xf32, #tpu.memory_space<hbm>>
      %dma_wait3A_239 = arith.constant 0 : i32
      %dma_wait3A_240 = arith.constant 0 : i32
      %dma_wait3A_241 = tpu.memref_slice %arg6[%run_scoped3A_148, %dma_wait3A_239, %dma_wait3A_240] : memref<2x128x128xf32, #tpu.memory_space<vmem>> -> memref<1x128x128xf32, #tpu.memory_space<vmem>>
      %dma_wait3A_242 = tpu.memref_squeeze %dma_wait3A_241 : memref<1x128x128xf32, #tpu.memory_space<vmem>> -> memref<128x128xf32, #tpu.memory_space<vmem>>
      tpu.wait_dma2 semaphore(%run_scoped3A_218 : memref<!tpu.dma_semaphore, #tpu.memory_space<semaphore_mem>>) src(%dma_wait3A_242 : memref<128x128xf32, #tpu.memory_space<vmem>>) dst(%dma_wait3A_238 : memref<128x128xf32, #tpu.memory_space<hbm>>)
      tpu.yield
    }) : () -> ()
    %dma_wait3A_149 = arith.constant 5 : i32
    %dma_wait3A_150 = arith.constant 1 : i32
    %dma_wait3A_151 = arith.constant 0 : i32
    %dma_wait3A_152 = arith.constant 0 : i32
    %dma_wait3A_153 = tpu.memref_slice %arg6[%dma_wait3A_150, %dma_wait3A_151, %dma_wait3A_152] : memref<2x128x128xf32, #tpu.memory_space<vmem>> -> memref<1x128x128xf32, #tpu.memory_space<vmem>>
    %dma_wait3A_154 = tpu.memref_squeeze %dma_wait3A_153 : memref<1x128x128xf32, #tpu.memory_space<vmem>> -> memref<128x128xf32, #tpu.memory_space<vmem>>
    %dma_wait3A_155 = arith.constant 0 : i32
    %dma_wait3A_156 = tpu.memref_slice %arg5[%dma_wait3A_149, %dma_wait3A_155] : memref<8x128xi32, #tpu.memory_space<vmem>> -> memref<1x128xi32, #tpu.memory_space<vmem>>
    %dma_wait3A_157 = tpu.memref_squeeze %dma_wait3A_156 : memref<1x128xi32, #tpu.memory_space<vmem>> -> memref<128xi32, #tpu.memory_space<vmem>>
    %dma_wait3A_158 = arith.constant 0 : i32
    %dma_wait3A_159 = arith.constant 0 : i32
    %dma_wait3A_160 = tpu.memref_slice %arg2[%dma_wait3A_158, %dma_wait3A_159] : memref<500000x128xf32, #tpu.memory_space<hbm>> -> memref<500000x128xf32, #tpu.memory_space<hbm>>
    tpu.wait_indirect_dma semaphore(%arg7 : memref<!tpu.dma_semaphore, #tpu.memory_space<semaphore_mem>>) src(%dma_wait3A_160 : memref<500000x128xf32, #tpu.memory_space<hbm>>) dst(%dma_wait3A_154 : memref<128x128xf32, #tpu.memory_space<vmem>>)
    %dma_start3A_161 = arith.constant 6 : i32
    %dma_start3A_162 = arith.constant 0 : i32
    %dma_start3A_163 = arith.constant 0 : i32
    %dma_start3A_164 = arith.constant 0 : i32
    %dma_start3A_165 = tpu.memref_slice %arg6[%dma_start3A_162, %dma_start3A_163, %dma_start3A_164] : memref<2x128x128xf32, #tpu.memory_space<vmem>> -> memref<1x128x128xf32, #tpu.memory_space<vmem>>
    %dma_start3A_166 = tpu.memref_squeeze %dma_start3A_165 : memref<1x128x128xf32, #tpu.memory_space<vmem>> -> memref<128x128xf32, #tpu.memory_space<vmem>>
    %dma_start3A_167 = arith.constant 0 : i32
    %dma_start3A_168 = tpu.memref_slice %arg5[%dma_start3A_161, %dma_start3A_167] : memref<8x128xi32, #tpu.memory_space<vmem>> -> memref<1x128xi32, #tpu.memory_space<vmem>>
    %dma_start3A_169 = tpu.memref_squeeze %dma_start3A_168 : memref<1x128xi32, #tpu.memory_space<vmem>> -> memref<128xi32, #tpu.memory_space<vmem>>
    %dma_start3A_170 = arith.constant 0 : i32
    %dma_start3A_171 = arith.constant 0 : i32
    %dma_start3A_172 = tpu.memref_slice %arg2[%dma_start3A_170, %dma_start3A_171] : memref<500000x128xf32, #tpu.memory_space<hbm>> -> memref<500000x128xf32, #tpu.memory_space<hbm>>
    tpu.enqueue_indirect_dma source(%dma_start3A_172 : memref<500000x128xf32, #tpu.memory_space<hbm>>) target(%dma_start3A_166 : memref<128x128xf32, #tpu.memory_space<vmem>>) offsets(%dma_start3A_169 : memref<128xi32, #tpu.memory_space<vmem>>) semaphore(%arg7 : memref<!tpu.dma_semaphore, #tpu.memory_space<semaphore_mem>>)
    %add3A_173 = arith.constant 640 : i32
    %add3A_174 = arith.addi %mul3A_2, %add3A_173 : i32
    %run_scoped3A_175 = arith.constant 1 : i32
    "tpu.region"() ({
      %run_scoped3A_218 = tpu.sem_alloc : memref<!tpu.dma_semaphore, #tpu.memory_space<semaphore_mem>>
      %dma_start3A_219 = arith.constant 0 : i32
      %dma_start3A_220 = arith.constant 0 : i32
      %dma_start3A_221 = tpu.memref_slice %arg6[%run_scoped3A_175, %dma_start3A_219, %dma_start3A_220] : memref<2x128x128xf32, #tpu.memory_space<vmem>> -> memref<1x128x128xf32, #tpu.memory_space<vmem>>
      %dma_start3A_222 = tpu.memref_squeeze %dma_start3A_221 : memref<1x128x128xf32, #tpu.memory_space<vmem>> -> memref<128x128xf32, #tpu.memory_space<vmem>>
      %dma_start3A_223 = arith.constant 0 : i32
      %dma_start3A_224 = tpu.memref_slice %arg4[%add3A_174, %dma_start3A_223] : memref<32768x128xf32, #tpu.memory_space<hbm>> -> memref<128x128xf32, #tpu.memory_space<hbm>>
      %dma_start3A_225 = arith.constant 0 : i32
      %dma_start3A_226 = tpu.memref_slice %arg4[%add3A_174, %dma_start3A_225] : memref<32768x128xf32, #tpu.memory_space<hbm>> -> memref<128x128xf32, #tpu.memory_space<hbm>>
      %dma_start3A_227 = arith.constant 0 : i32
      %dma_start3A_228 = arith.constant 0 : i32
      %dma_start3A_229 = tpu.memref_slice %arg6[%run_scoped3A_175, %dma_start3A_227, %dma_start3A_228] : memref<2x128x128xf32, #tpu.memory_space<vmem>> -> memref<1x128x128xf32, #tpu.memory_space<vmem>>
      %dma_start3A_230 = tpu.memref_squeeze %dma_start3A_229 : memref<1x128x128xf32, #tpu.memory_space<vmem>> -> memref<128x128xf32, #tpu.memory_space<vmem>>
      tpu.enqueue_dma source(%dma_start3A_230 : memref<128x128xf32, #tpu.memory_space<vmem>>) target(%dma_start3A_226 : memref<128x128xf32, #tpu.memory_space<hbm>>) target_semaphore(%run_scoped3A_218 : memref<!tpu.dma_semaphore, #tpu.memory_space<semaphore_mem>>)
      %dma_wait3A_231 = arith.constant 0 : i32
      %dma_wait3A_232 = arith.constant 0 : i32
      %dma_wait3A_233 = tpu.memref_slice %arg6[%run_scoped3A_175, %dma_wait3A_231, %dma_wait3A_232] : memref<2x128x128xf32, #tpu.memory_space<vmem>> -> memref<1x128x128xf32, #tpu.memory_space<vmem>>
      %dma_wait3A_234 = tpu.memref_squeeze %dma_wait3A_233 : memref<1x128x128xf32, #tpu.memory_space<vmem>> -> memref<128x128xf32, #tpu.memory_space<vmem>>
      %dma_wait3A_235 = arith.constant 0 : i32
      %dma_wait3A_236 = tpu.memref_slice %arg4[%add3A_174, %dma_wait3A_235] : memref<32768x128xf32, #tpu.memory_space<hbm>> -> memref<128x128xf32, #tpu.memory_space<hbm>>
      %dma_wait3A_237 = arith.constant 0 : i32
      %dma_wait3A_238 = tpu.memref_slice %arg4[%add3A_174, %dma_wait3A_237] : memref<32768x128xf32, #tpu.memory_space<hbm>> -> memref<128x128xf32, #tpu.memory_space<hbm>>
      %dma_wait3A_239 = arith.constant 0 : i32
      %dma_wait3A_240 = arith.constant 0 : i32
      %dma_wait3A_241 = tpu.memref_slice %arg6[%run_scoped3A_175, %dma_wait3A_239, %dma_wait3A_240] : memref<2x128x128xf32, #tpu.memory_space<vmem>> -> memref<1x128x128xf32, #tpu.memory_space<vmem>>
      %dma_wait3A_242 = tpu.memref_squeeze %dma_wait3A_241 : memref<1x128x128xf32, #tpu.memory_space<vmem>> -> memref<128x128xf32, #tpu.memory_space<vmem>>
      tpu.wait_dma2 semaphore(%run_scoped3A_218 : memref<!tpu.dma_semaphore, #tpu.memory_space<semaphore_mem>>) src(%dma_wait3A_242 : memref<128x128xf32, #tpu.memory_space<vmem>>) dst(%dma_wait3A_238 : memref<128x128xf32, #tpu.memory_space<hbm>>)
      tpu.yield
    }) : () -> ()
    %dma_wait3A_176 = arith.constant 6 : i32
    %dma_wait3A_177 = arith.constant 0 : i32
    %dma_wait3A_178 = arith.constant 0 : i32
    %dma_wait3A_179 = arith.constant 0 : i32
    %dma_wait3A_180 = tpu.memref_slice %arg6[%dma_wait3A_177, %dma_wait3A_178, %dma_wait3A_179] : memref<2x128x128xf32, #tpu.memory_space<vmem>> -> memref<1x128x128xf32, #tpu.memory_space<vmem>>
    %dma_wait3A_181 = tpu.memref_squeeze %dma_wait3A_180 : memref<1x128x128xf32, #tpu.memory_space<vmem>> -> memref<128x128xf32, #tpu.memory_space<vmem>>
    %dma_wait3A_182 = arith.constant 0 : i32
    %dma_wait3A_183 = tpu.memref_slice %arg5[%dma_wait3A_176, %dma_wait3A_182] : memref<8x128xi32, #tpu.memory_space<vmem>> -> memref<1x128xi32, #tpu.memory_space<vmem>>
    %dma_wait3A_184 = tpu.memref_squeeze %dma_wait3A_183 : memref<1x128xi32, #tpu.memory_space<vmem>> -> memref<128xi32, #tpu.memory_space<vmem>>
    %dma_wait3A_185 = arith.constant 0 : i32
    %dma_wait3A_186 = arith.constant 0 : i32
    %dma_wait3A_187 = tpu.memref_slice %arg2[%dma_wait3A_185, %dma_wait3A_186] : memref<500000x128xf32, #tpu.memory_space<hbm>> -> memref<500000x128xf32, #tpu.memory_space<hbm>>
    tpu.wait_indirect_dma semaphore(%arg7 : memref<!tpu.dma_semaphore, #tpu.memory_space<semaphore_mem>>) src(%dma_wait3A_187 : memref<500000x128xf32, #tpu.memory_space<hbm>>) dst(%dma_wait3A_181 : memref<128x128xf32, #tpu.memory_space<vmem>>)
    %dma_start3A_188 = arith.constant 7 : i32
    %dma_start3A_189 = arith.constant 1 : i32
    %dma_start3A_190 = arith.constant 0 : i32
    %dma_start3A_191 = arith.constant 0 : i32
    %dma_start3A_192 = tpu.memref_slice %arg6[%dma_start3A_189, %dma_start3A_190, %dma_start3A_191] : memref<2x128x128xf32, #tpu.memory_space<vmem>> -> memref<1x128x128xf32, #tpu.memory_space<vmem>>
    %dma_start3A_193 = tpu.memref_squeeze %dma_start3A_192 : memref<1x128x128xf32, #tpu.memory_space<vmem>> -> memref<128x128xf32, #tpu.memory_space<vmem>>
    %dma_start3A_194 = arith.constant 0 : i32
    %dma_start3A_195 = tpu.memref_slice %arg5[%dma_start3A_188, %dma_start3A_194] : memref<8x128xi32, #tpu.memory_space<vmem>> -> memref<1x128xi32, #tpu.memory_space<vmem>>
    %dma_start3A_196 = tpu.memref_squeeze %dma_start3A_195 : memref<1x128xi32, #tpu.memory_space<vmem>> -> memref<128xi32, #tpu.memory_space<vmem>>
    %dma_start3A_197 = arith.constant 0 : i32
    %dma_start3A_198 = arith.constant 0 : i32
    %dma_start3A_199 = tpu.memref_slice %arg2[%dma_start3A_197, %dma_start3A_198] : memref<500000x128xf32, #tpu.memory_space<hbm>> -> memref<500000x128xf32, #tpu.memory_space<hbm>>
    tpu.enqueue_indirect_dma source(%dma_start3A_199 : memref<500000x128xf32, #tpu.memory_space<hbm>>) target(%dma_start3A_193 : memref<128x128xf32, #tpu.memory_space<vmem>>) offsets(%dma_start3A_196 : memref<128xi32, #tpu.memory_space<vmem>>) semaphore(%arg7 : memref<!tpu.dma_semaphore, #tpu.memory_space<semaphore_mem>>)
    %add3A_200 = arith.constant 768 : i32
    %add3A_201 = arith.addi %mul3A_2, %add3A_200 : i32
    %run_scoped3A_202 = arith.constant 0 : i32
    "tpu.region"() ({
      %run_scoped3A_218 = tpu.sem_alloc : memref<!tpu.dma_semaphore, #tpu.memory_space<semaphore_mem>>
      %dma_start3A_219 = arith.constant 0 : i32
      %dma_start3A_220 = arith.constant 0 : i32
      %dma_start3A_221 = tpu.memref_slice %arg6[%run_scoped3A_202, %dma_start3A_219, %dma_start3A_220] : memref<2x128x128xf32, #tpu.memory_space<vmem>> -> memref<1x128x128xf32, #tpu.memory_space<vmem>>
      %dma_start3A_222 = tpu.memref_squeeze %dma_start3A_221 : memref<1x128x128xf32, #tpu.memory_space<vmem>> -> memref<128x128xf32, #tpu.memory_space<vmem>>
      %dma_start3A_223 = arith.constant 0 : i32
      %dma_start3A_224 = tpu.memref_slice %arg4[%add3A_201, %dma_start3A_223] : memref<32768x128xf32, #tpu.memory_space<hbm>> -> memref<128x128xf32, #tpu.memory_space<hbm>>
      %dma_start3A_225 = arith.constant 0 : i32
      %dma_start3A_226 = tpu.memref_slice %arg4[%add3A_201, %dma_start3A_225] : memref<32768x128xf32, #tpu.memory_space<hbm>> -> memref<128x128xf32, #tpu.memory_space<hbm>>
      %dma_start3A_227 = arith.constant 0 : i32
      %dma_start3A_228 = arith.constant 0 : i32
      %dma_start3A_229 = tpu.memref_slice %arg6[%run_scoped3A_202, %dma_start3A_227, %dma_start3A_228] : memref<2x128x128xf32, #tpu.memory_space<vmem>> -> memref<1x128x128xf32, #tpu.memory_space<vmem>>
      %dma_start3A_230 = tpu.memref_squeeze %dma_start3A_229 : memref<1x128x128xf32, #tpu.memory_space<vmem>> -> memref<128x128xf32, #tpu.memory_space<vmem>>
      tpu.enqueue_dma source(%dma_start3A_230 : memref<128x128xf32, #tpu.memory_space<vmem>>) target(%dma_start3A_226 : memref<128x128xf32, #tpu.memory_space<hbm>>) target_semaphore(%run_scoped3A_218 : memref<!tpu.dma_semaphore, #tpu.memory_space<semaphore_mem>>)
      %dma_wait3A_231 = arith.constant 0 : i32
      %dma_wait3A_232 = arith.constant 0 : i32
      %dma_wait3A_233 = tpu.memref_slice %arg6[%run_scoped3A_202, %dma_wait3A_231, %dma_wait3A_232] : memref<2x128x128xf32, #tpu.memory_space<vmem>> -> memref<1x128x128xf32, #tpu.memory_space<vmem>>
      %dma_wait3A_234 = tpu.memref_squeeze %dma_wait3A_233 : memref<1x128x128xf32, #tpu.memory_space<vmem>> -> memref<128x128xf32, #tpu.memory_space<vmem>>
      %dma_wait3A_235 = arith.constant 0 : i32
      %dma_wait3A_236 = tpu.memref_slice %arg4[%add3A_201, %dma_wait3A_235] : memref<32768x128xf32, #tpu.memory_space<hbm>> -> memref<128x128xf32, #tpu.memory_space<hbm>>
      %dma_wait3A_237 = arith.constant 0 : i32
      %dma_wait3A_238 = tpu.memref_slice %arg4[%add3A_201, %dma_wait3A_237] : memref<32768x128xf32, #tpu.memory_space<hbm>> -> memref<128x128xf32, #tpu.memory_space<hbm>>
      %dma_wait3A_239 = arith.constant 0 : i32
      %dma_wait3A_240 = arith.constant 0 : i32
      %dma_wait3A_241 = tpu.memref_slice %arg6[%run_scoped3A_202, %dma_wait3A_239, %dma_wait3A_240] : memref<2x128x128xf32, #tpu.memory_space<vmem>> -> memref<1x128x128xf32, #tpu.memory_space<vmem>>
      %dma_wait3A_242 = tpu.memref_squeeze %dma_wait3A_241 : memref<1x128x128xf32, #tpu.memory_space<vmem>> -> memref<128x128xf32, #tpu.memory_space<vmem>>
      tpu.wait_dma2 semaphore(%run_scoped3A_218 : memref<!tpu.dma_semaphore, #tpu.memory_space<semaphore_mem>>) src(%dma_wait3A_242 : memref<128x128xf32, #tpu.memory_space<vmem>>) dst(%dma_wait3A_238 : memref<128x128xf32, #tpu.memory_space<hbm>>)
      tpu.yield
    }) : () -> ()
    %dma_wait3A_203 = arith.constant 7 : i32
    %dma_wait3A_204 = arith.constant 1 : i32
    %dma_wait3A_205 = arith.constant 0 : i32
    %dma_wait3A_206 = arith.constant 0 : i32
    %dma_wait3A_207 = tpu.memref_slice %arg6[%dma_wait3A_204, %dma_wait3A_205, %dma_wait3A_206] : memref<2x128x128xf32, #tpu.memory_space<vmem>> -> memref<1x128x128xf32, #tpu.memory_space<vmem>>
    %dma_wait3A_208 = tpu.memref_squeeze %dma_wait3A_207 : memref<1x128x128xf32, #tpu.memory_space<vmem>> -> memref<128x128xf32, #tpu.memory_space<vmem>>
    %dma_wait3A_209 = arith.constant 0 : i32
    %dma_wait3A_210 = tpu.memref_slice %arg5[%dma_wait3A_203, %dma_wait3A_209] : memref<8x128xi32, #tpu.memory_space<vmem>> -> memref<1x128xi32, #tpu.memory_space<vmem>>
    %dma_wait3A_211 = tpu.memref_squeeze %dma_wait3A_210 : memref<1x128xi32, #tpu.memory_space<vmem>> -> memref<128xi32, #tpu.memory_space<vmem>>
    %dma_wait3A_212 = arith.constant 0 : i32
    %dma_wait3A_213 = arith.constant 0 : i32
    %dma_wait3A_214 = tpu.memref_slice %arg2[%dma_wait3A_212, %dma_wait3A_213] : memref<500000x128xf32, #tpu.memory_space<hbm>> -> memref<500000x128xf32, #tpu.memory_space<hbm>>
    tpu.wait_indirect_dma semaphore(%arg7 : memref<!tpu.dma_semaphore, #tpu.memory_space<semaphore_mem>>) src(%dma_wait3A_214 : memref<500000x128xf32, #tpu.memory_space<hbm>>) dst(%dma_wait3A_208 : memref<128x128xf32, #tpu.memory_space<vmem>>)
    %add3A_215 = arith.constant 896 : i32
    %add3A_216 = arith.addi %mul3A_2, %add3A_215 : i32
    %run_scoped3A_217 = arith.constant 1 : i32
    "tpu.region"() ({
      %run_scoped3A_218 = tpu.sem_alloc : memref<!tpu.dma_semaphore, #tpu.memory_space<semaphore_mem>>
      %dma_start3A_219 = arith.constant 0 : i32
      %dma_start3A_220 = arith.constant 0 : i32
      %dma_start3A_221 = tpu.memref_slice %arg6[%run_scoped3A_217, %dma_start3A_219, %dma_start3A_220] : memref<2x128x128xf32, #tpu.memory_space<vmem>> -> memref<1x128x128xf32, #tpu.memory_space<vmem>>
      %dma_start3A_222 = tpu.memref_squeeze %dma_start3A_221 : memref<1x128x128xf32, #tpu.memory_space<vmem>> -> memref<128x128xf32, #tpu.memory_space<vmem>>
      %dma_start3A_223 = arith.constant 0 : i32
      %dma_start3A_224 = tpu.memref_slice %arg4[%add3A_216, %dma_start3A_223] : memref<32768x128xf32, #tpu.memory_space<hbm>> -> memref<128x128xf32, #tpu.memory_space<hbm>>
      %dma_start3A_225 = arith.constant 0 : i32
      %dma_start3A_226 = tpu.memref_slice %arg4[%add3A_216, %dma_start3A_225] : memref<32768x128xf32, #tpu.memory_space<hbm>> -> memref<128x128xf32, #tpu.memory_space<hbm>>
      %dma_start3A_227 = arith.constant 0 : i32
      %dma_start3A_228 = arith.constant 0 : i32
      %dma_start3A_229 = tpu.memref_slice %arg6[%run_scoped3A_217, %dma_start3A_227, %dma_start3A_228] : memref<2x128x128xf32, #tpu.memory_space<vmem>> -> memref<1x128x128xf32, #tpu.memory_space<vmem>>
      %dma_start3A_230 = tpu.memref_squeeze %dma_start3A_229 : memref<1x128x128xf32, #tpu.memory_space<vmem>> -> memref<128x128xf32, #tpu.memory_space<vmem>>
      tpu.enqueue_dma source(%dma_start3A_230 : memref<128x128xf32, #tpu.memory_space<vmem>>) target(%dma_start3A_226 : memref<128x128xf32, #tpu.memory_space<hbm>>) target_semaphore(%run_scoped3A_218 : memref<!tpu.dma_semaphore, #tpu.memory_space<semaphore_mem>>)
      %dma_wait3A_231 = arith.constant 0 : i32
      %dma_wait3A_232 = arith.constant 0 : i32
      %dma_wait3A_233 = tpu.memref_slice %arg6[%run_scoped3A_217, %dma_wait3A_231, %dma_wait3A_232] : memref<2x128x128xf32, #tpu.memory_space<vmem>> -> memref<1x128x128xf32, #tpu.memory_space<vmem>>
      %dma_wait3A_234 = tpu.memref_squeeze %dma_wait3A_233 : memref<1x128x128xf32, #tpu.memory_space<vmem>> -> memref<128x128xf32, #tpu.memory_space<vmem>>
      %dma_wait3A_235 = arith.constant 0 : i32
      %dma_wait3A_236 = tpu.memref_slice %arg4[%add3A_216, %dma_wait3A_235] : memref<32768x128xf32, #tpu.memory_space<hbm>> -> memref<128x128xf32, #tpu.memory_space<hbm>>
      %dma_wait3A_237 = arith.constant 0 : i32
      %dma_wait3A_238 = tpu.memref_slice %arg4[%add3A_216, %dma_wait3A_237] : memref<32768x128xf32, #tpu.memory_space<hbm>> -> memref<128x128xf32, #tpu.memory_space<hbm>>
      %dma_wait3A_239 = arith.constant 0 : i32
      %dma_wait3A_240 = arith.constant 0 : i32
      %dma_wait3A_241 = tpu.memref_slice %arg6[%run_scoped3A_217, %dma_wait3A_239, %dma_wait3A_240] : memref<2x128x128xf32, #tpu.memory_space<vmem>> -> memref<1x128x128xf32, #tpu.memory_space<vmem>>
      %dma_wait3A_242 = tpu.memref_squeeze %dma_wait3A_241 : memref<1x128x128xf32, #tpu.memory_space<vmem>> -> memref<128x128xf32, #tpu.memory_space<vmem>>
      tpu.wait_dma2 semaphore(%run_scoped3A_218 : memref<!tpu.dma_semaphore, #tpu.memory_space<semaphore_mem>>) src(%dma_wait3A_242 : memref<128x128xf32, #tpu.memory_space<vmem>>) dst(%dma_wait3A_238 : memref<128x128xf32, #tpu.memory_space<hbm>>)
      tpu.yield
    }) : () -> ()
    return
  }
}

module attributes {stable_mosaic.version = 14 : i64} {
  func.func @_tc_body(%arg0: i32, %arg1: memref<64x32x128xf32, #tpu.memory_space<vmem>>, %arg2: memref<64x64xf32, #tpu.memory_space<vmem>>, %arg3: memref<64x32xi32, #tpu.memory_space<vmem>>, %arg4: memref<64x32xi32, #tpu.memory_space<vmem>>, %arg5: memref<64x32xf32, #tpu.memory_space<vmem>>, %arg6: memref<64x32xi32, #tpu.memory_space<vmem>>, %arg7: memref<64x32x64xf32, #tpu.memory_space<vmem>>) attributes {dimension_semantics = [#tpu.dimension_semantics<parallel>], iteration_bounds = array<i64: 16>, scalar_prefetch = 0 : i64, scratch_operands = 0 : i64, tpu.core_type = #tpu.core_type<tc>, window_params = [{transform_indices = @transform_0, window_bounds = array<i64: 64, 32, 128>}, {transform_indices = @transform_1, window_bounds = array<i64: 64, 64>}, {transform_indices = @transform_2, window_bounds = array<i64: 64, 32>}, {transform_indices = @transform_3, window_bounds = array<i64: 64, 32>}, {transform_indices = @transform_4, window_bounds = array<i64: 64, 32>}, {transform_indices = @transform_5, window_bounds = array<i64: 64, 32>}, {transform_indices = @transform_6, window_bounds = array<i64: 64, 32, 64>}]} {
    %get3A = arith.constant 0 : index
    %get3A_0 = arith.constant 0 : index
    %get3A_1 = arith.constant 0 : index
    %get3A_2 = vector.load %arg1[%get3A, %get3A_0, %get3A_1] : memref<64x32x128xf32, #tpu.memory_space<vmem>>, vector<64x32x128xf32>
    %get3A_3 = arith.constant 0 : index
    %get3A_4 = arith.constant 0 : index
    %get3A_5 = vector.load %arg3[%get3A_3, %get3A_4] : memref<64x32xi32, #tpu.memory_space<vmem>>, vector<64x32xi32>
    %and3A = arith.constant 1 : i32
    %and3A_6 = vector.broadcast %and3A : i32 to vector<64x32xi32>
    %and3A_7 = arith.andi %get3A_5, %and3A_6 : vector<64x32xi32>
    %broadcast_in_dim3A = vector.shape_cast %and3A_7 : vector<64x32xi32> to vector<64x32x1xi32>
    %eq3A = arith.constant 0 : i32
    %eq3A_8 = vector.broadcast %eq3A : i32 to vector<64x32x1xi32>
    %eq3A_9 = arith.cmpi eq, %broadcast_in_dim3A, %eq3A_8 : vector<64x32x1xi32>
    %slice3A = vector.extract_strided_slice %get3A_2 {offsets = [0, 0, 0], sizes = [64, 32, 64], strides = [1, 1, 1]} : vector<64x32x128xf32> to vector<64x32x64xf32>
    %slice3A_10 = vector.extract_strided_slice %get3A_2 {offsets = [0, 0, 64], sizes = [64, 32, 64], strides = [1, 1, 1]} : vector<64x32x128xf32> to vector<64x32x64xf32>
    %broadcast_in_dim3A_11 = vector.shape_cast %eq3A_9 : vector<64x32x1xi1> to vector<64x32x1xi1>
    %broadcast_in_dim3A_12 = vector.broadcast %broadcast_in_dim3A_11 : vector<64x32x1xi1> to vector<64x32x64xi1>
    %select_n3A = arith.select %broadcast_in_dim3A_12, %slice3A, %slice3A_10 : vector<64x32x64xi1>, vector<64x32x64xf32>
    %dot_general3A = arith.constant dense<0.000000e+00> : vector<64x32x32xf32>
    %dot_general3A_13 = tpu.matmul %select_n3A, %select_n3A, %dot_general3A {dimension_numbers = #tpu.dot_dimension_numbers<[2], [2], [1], [1], [0, 0, 0, 1, 1, 1], [0], [0]>, transpose_lhs_hint = false} : vector<64x32x64xf32>, vector<64x32x64xf32>, vector<64x32x32xf32> -> vector<64x32x32xf32>
    %iota3A = tpu.iota {dimensions = array<i32: 2>} : vector<64x32x32xi32>
    %lt3A = arith.constant 30 : i32
    %lt3A_14 = vector.broadcast %lt3A : i32 to vector<64x32x32xi32>
    %lt3A_15 = arith.cmpi slt, %iota3A, %lt3A_14 : vector<64x32x32xi32>
    %jit3A = arith.constant -3.000000e+38 : f32
    %broadcast_in_dim3A_16 = vector.broadcast %jit3A : f32 to vector<64x32x32xf32>
    %select_n3A_17 = arith.select %lt3A_15, %dot_general3A_13, %broadcast_in_dim3A_16 : vector<64x32x32xi1>, vector<64x32x32xf32>
    %iota3A_18 = tpu.iota {dimensions = array<i32: 2>} : vector<64x32x32x32xi32>
    %iota3A_19 = tpu.iota {dimensions = array<i32: 3>} : vector<64x32x32x32xi32>
    %broadcast_in_dim3A_20 = vector.shape_cast %select_n3A_17 : vector<64x32x32xf32> to vector<64x32x32x1xf32>
    %broadcast_in_dim3A_21 = vector.shape_cast %select_n3A_17 : vector<64x32x32xf32> to vector<64x32x1x32xf32>
    %gt3A = vector.broadcast %broadcast_in_dim3A_20 : vector<64x32x32x1xf32> to vector<64x32x32x32xf32>
    %gt3A_22 = vector.broadcast %broadcast_in_dim3A_21 : vector<64x32x1x32xf32> to vector<64x32x32x32xf32>
    %gt3A_23 = arith.cmpf ogt, %gt3A, %gt3A_22 : vector<64x32x32x32xf32>
    %eq3A_24 = vector.broadcast %broadcast_in_dim3A_20 : vector<64x32x32x1xf32> to vector<64x32x32x32xf32>
    %eq3A_25 = vector.broadcast %broadcast_in_dim3A_21 : vector<64x32x1x32xf32> to vector<64x32x32x32xf32>
    %eq3A_26 = arith.cmpf oeq, %eq3A_24, %eq3A_25 : vector<64x32x32x32xf32>
    %lt3A_27 = arith.cmpi slt, %iota3A_18, %iota3A_19 : vector<64x32x32x32xi32>
    %and3A_28 = arith.andi %eq3A_26, %lt3A_27 : vector<64x32x32x32xi1>
    %or3A = arith.ori %gt3A_23, %and3A_28 : vector<64x32x32x32xi1>
    %convert_element_type3A = arith.extui %or3A : vector<64x32x32x32xi1> to vector<64x32x32x32xi32>
    %reduce_sum3A = arith.constant dense<0> : vector<64x32x32xi32>
    %reduce_sum3A_29 = vector.multi_reduction <add>, %convert_element_type3A, %reduce_sum3A [2] : vector<64x32x32x32xi32> to vector<64x32x32xi32>
    %eq3A_30 = arith.constant 0 : i32
    %eq3A_31 = vector.broadcast %eq3A_30 : i32 to vector<64x32x32xi32>
    %eq3A_32 = arith.cmpi eq, %reduce_sum3A_29, %eq3A_31 : vector<64x32x32xi32>
    %lt3A_33 = arith.constant 20 : i32
    %lt3A_34 = vector.broadcast %lt3A_33 : i32 to vector<64x32x32xi32>
    %lt3A_35 = arith.cmpi slt, %reduce_sum3A_29, %lt3A_34 : vector<64x32x32xi32>
    %mul3A = arith.constant 1.500000e-01 : f32
    %mul3A_36 = vector.broadcast %mul3A : f32 to vector<64x32x32xf32>
    %mul3A_37 = arith.mulf %mul3A_36, %select_n3A_17 : vector<64x32x32xf32>
    %jit3A_38 = arith.constant 0.000000e+00 : f32
    %broadcast_in_dim3A_39 = vector.broadcast %jit3A_38 : f32 to vector<64x32x32xf32>
    %select_n3A_40 = arith.select %lt3A_35, %mul3A_37, %broadcast_in_dim3A_39 : vector<64x32x32xi1>, vector<64x32x32xf32>
    %jit3A_41 = arith.constant 1.000000e+00 : f32
    %broadcast_in_dim3A_42 = vector.broadcast %jit3A_41 : f32 to vector<64x32x32xf32>
    %select_n3A_43 = arith.select %eq3A_32, %broadcast_in_dim3A_42, %select_n3A_40 : vector<64x32x32xi1>, vector<64x32x32xf32>
    %reduce_sum3A_44 = arith.constant dense<0.000000e+00> : vector<64x32xf32>
    %reduce_sum3A_45 = vector.multi_reduction <add>, %select_n3A_43, %reduce_sum3A_44 [2] : vector<64x32x32xf32> to vector<64x32xf32>
    %dot_general3A_46 = arith.constant dense<0.000000e+00> : vector<64x32x64xf32>
    %dot_general3A_47 = tpu.matmul %select_n3A_43, %select_n3A, %dot_general3A_46 {dimension_numbers = #tpu.dot_dimension_numbers<[2], [1], [1], [2], [0, 0, 0, 1, 1, 2], [0], [0]>, precision = #tpu.contract_precision<fp32>, transpose_lhs_hint = false} : vector<64x32x32xf32>, vector<64x32x64xf32>, vector<64x32x64xf32> -> vector<64x32x64xf32>
    %broadcast_in_dim3A_48 = vector.shape_cast %reduce_sum3A_45 : vector<64x32xf32> to vector<64x32x1xf32>
    %div3A = vector.broadcast %broadcast_in_dim3A_48 : vector<64x32x1xf32> to vector<64x32x64xf32>
    %div3A_49 = arith.divf %dot_general3A_47, %div3A : vector<64x32x64xf32>
    %swap3A = arith.constant 0 : index
    %swap3A_50 = arith.constant 0 : index
    %swap3A_51 = arith.constant 0 : index
    %swap3A_52 = vector.load %arg7[%swap3A, %swap3A_50, %swap3A_51] : memref<64x32x64xf32, #tpu.memory_space<vmem>>, vector<64x32x64xf32>
    tpu.vector_store %arg7[%swap3A, %swap3A_50, %swap3A_51], %div3A_49 {strides = array<i32>} : memref<64x32x64xf32, #tpu.memory_space<vmem>>, vector<64x32x64xf32>,
    %get3A_53 = arith.constant 0 : index
    %get3A_54 = arith.constant 0 : index
    %get3A_55 = vector.load %arg2[%get3A_53, %get3A_54] : memref<64x64xf32, #tpu.memory_space<vmem>>, vector<64x64xf32>
    %broadcast_in_dim3A_56 = vector.shape_cast %get3A_55 : vector<64x64xf32> to vector<64x1x64xf32>
    %mul3A_57 = vector.broadcast %broadcast_in_dim3A_56 : vector<64x1x64xf32> to vector<64x32x64xf32>
    %mul3A_58 = arith.mulf %div3A_49, %mul3A_57 : vector<64x32x64xf32>
    %reduce_sum3A_59 = arith.constant dense<0.000000e+00> : vector<64x32xf32>
    %reduce_sum3A_60 = vector.multi_reduction <add>, %mul3A_58, %reduce_sum3A_59 [2] : vector<64x32x64xf32> to vector<64x32xf32>
    %swap3A_61 = arith.constant 0 : index
    %swap3A_62 = arith.constant 0 : index
    %swap3A_63 = vector.load %arg5[%swap3A_61, %swap3A_62] : memref<64x32xf32, #tpu.memory_space<vmem>>, vector<64x32xf32>
    tpu.vector_store %arg5[%swap3A_61, %swap3A_62], %reduce_sum3A_60 {strides = array<i32>} : memref<64x32xf32, #tpu.memory_space<vmem>>, vector<64x32xf32>,
    %iota3A_64 = tpu.iota {dimensions = array<i32: 1>} : vector<64x32xi32>
    %lt3A_65 = arith.constant 30 : i32
    %lt3A_66 = vector.broadcast %lt3A_65 : i32 to vector<64x32xi32>
    %lt3A_67 = arith.cmpi slt, %iota3A_64, %lt3A_66 : vector<64x32xi32>
    %jit3A_68 = arith.constant -3.000000e+38 : f32
    %broadcast_in_dim3A_69 = vector.broadcast %jit3A_68 : f32 to vector<64x32xf32>
    %select_n3A_70 = arith.select %lt3A_67, %reduce_sum3A_60, %broadcast_in_dim3A_69 : vector<64x32xi1>, vector<64x32xf32>
    %iota3A_71 = tpu.iota {dimensions = array<i32: 1>} : vector<64x32x32xi32>
    %iota3A_72 = tpu.iota {dimensions = array<i32: 2>} : vector<64x32x32xi32>
    %broadcast_in_dim3A_73 = vector.shape_cast %select_n3A_70 : vector<64x32xf32> to vector<64x32x1xf32>
    %broadcast_in_dim3A_74 = vector.shape_cast %select_n3A_70 : vector<64x32xf32> to vector<64x1x32xf32>
    %gt3A_75 = vector.broadcast %broadcast_in_dim3A_73 : vector<64x32x1xf32> to vector<64x32x32xf32>
    %gt3A_76 = vector.broadcast %broadcast_in_dim3A_74 : vector<64x1x32xf32> to vector<64x32x32xf32>
    %gt3A_77 = arith.cmpf ogt, %gt3A_75, %gt3A_76 : vector<64x32x32xf32>
    %eq3A_78 = vector.broadcast %broadcast_in_dim3A_73 : vector<64x32x1xf32> to vector<64x32x32xf32>
    %eq3A_79 = vector.broadcast %broadcast_in_dim3A_74 : vector<64x1x32xf32> to vector<64x32x32xf32>
    %eq3A_80 = arith.cmpf oeq, %eq3A_78, %eq3A_79 : vector<64x32x32xf32>
    %lt3A_81 = arith.cmpi slt, %iota3A_71, %iota3A_72 : vector<64x32x32xi32>
    %and3A_82 = arith.andi %eq3A_80, %lt3A_81 : vector<64x32x32xi1>
    %or3A_83 = arith.ori %gt3A_77, %and3A_82 : vector<64x32x32xi1>
    %convert_element_type3A_84 = arith.extui %or3A_83 : vector<64x32x32xi1> to vector<64x32x32xi32>
    %reduce_sum3A_85 = arith.constant dense<0> : vector<64x32xi32>
    %reduce_sum3A_86 = vector.multi_reduction <add>, %convert_element_type3A_84, %reduce_sum3A_85 [1] : vector<64x32x32xi32> to vector<64x32xi32>
    %iota3A_87 = tpu.iota {dimensions = array<i32: 1>} : vector<64x32x32xi32>
    %iota3A_88 = tpu.iota {dimensions = array<i32: 2>} : vector<64x32x32xi32>
    %broadcast_in_dim3A_89 = vector.shape_cast %reduce_sum3A_86 : vector<64x32xi32> to vector<64x1x32xi32>
    %eq3A_90 = vector.broadcast %broadcast_in_dim3A_89 : vector<64x1x32xi32> to vector<64x32x32xi32>
    %eq3A_91 = arith.cmpi eq, %eq3A_90, %iota3A_87 : vector<64x32x32xi32>
    %convert_element_type3A_92 = arith.extui %eq3A_91 : vector<64x32x32xi1> to vector<64x32x32xi32>
    %mul3A_93 = arith.muli %convert_element_type3A_92, %iota3A_88 : vector<64x32x32xi32>
    %reduce_sum3A_94 = arith.constant dense<0> : vector<64x32xi32>
    %reduce_sum3A_95 = vector.multi_reduction <add>, %mul3A_93, %reduce_sum3A_94 [2] : vector<64x32x32xi32> to vector<64x32xi32>
    %swap3A_96 = arith.constant 0 : index
    %swap3A_97 = arith.constant 0 : index
    %swap3A_98 = vector.load %arg6[%swap3A_96, %swap3A_97] : memref<64x32xi32, #tpu.memory_space<vmem>>, vector<64x32xi32>
    tpu.vector_store %arg6[%swap3A_96, %swap3A_97], %reduce_sum3A_95 {strides = array<i32>} : memref<64x32xi32, #tpu.memory_space<vmem>>, vector<64x32xi32>,
    %get3A_99 = arith.constant 0 : index
    %get3A_100 = arith.constant 0 : index
    %get3A_101 = vector.load %arg3[%get3A_99, %get3A_100] : memref<64x32xi32, #tpu.memory_space<vmem>>, vector<64x32xi32>
    %broadcast_in_dim3A_102 = vector.shape_cast %get3A_101 : vector<64x32xi32> to vector<64x1x32xi32>
    %mul3A_103 = vector.broadcast %broadcast_in_dim3A_102 : vector<64x1x32xi32> to vector<64x32x32xi32>
    %mul3A_104 = arith.muli %convert_element_type3A_92, %mul3A_103 : vector<64x32x32xi32>
    %reduce_sum3A_105 = arith.constant dense<0> : vector<64x32xi32>
    %reduce_sum3A_106 = vector.multi_reduction <add>, %mul3A_104, %reduce_sum3A_105 [2] : vector<64x32x32xi32> to vector<64x32xi32>
    %swap3A_107 = arith.constant 0 : index
    %swap3A_108 = arith.constant 0 : index
    %swap3A_109 = vector.load %arg4[%swap3A_107, %swap3A_108] : memref<64x32xi32, #tpu.memory_space<vmem>>, vector<64x32xi32>
    tpu.vector_store %arg4[%swap3A_107, %swap3A_108], %reduce_sum3A_106 {strides = array<i32>} : memref<64x32xi32, #tpu.memory_space<vmem>>, vector<64x32xi32>,
    return
  }
  func.func @transform_0(%arg0: i32) -> (i32, i32, i32) {
    %c0_i32 = arith.constant 0 : i32
    %c0_i32_0 = arith.constant 0 : i32
    %c0_i32_1 = arith.constant 0 : i32
    return %arg0, %c0_i32, %c0_i32_0 : i32, i32, i32
  }
  func.func @transform_1(%arg0: i32) -> (i32, i32) {
    %c0_i32 = arith.constant 0 : i32
    %c0_i32_0 = arith.constant 0 : i32
    return %arg0, %c0_i32 : i32, i32
  }
  func.func @transform_2(%arg0: i32) -> (i32, i32) {
    %c0_i32 = arith.constant 0 : i32
    %c0_i32_0 = arith.constant 0 : i32
    return %arg0, %c0_i32 : i32, i32
  }
  func.func @transform_3(%arg0: i32) -> (i32, i32) {
    %c0_i32 = arith.constant 0 : i32
    %c0_i32_0 = arith.constant 0 : i32
    return %arg0, %c0_i32 : i32, i32
  }
  func.func @transform_4(%arg0: i32) -> (i32, i32) {
    %c0_i32 = arith.constant 0 : i32
    %c0_i32_0 = arith.constant 0 : i32
    return %arg0, %c0_i32 : i32, i32
  }
  func.func @transform_5(%arg0: i32) -> (i32, i32) {
    %c0_i32 = arith.constant 0 : i32
    %c0_i32_0 = arith.constant 0 : i32
    return %arg0, %c0_i32 : i32, i32
  }
  func.func @transform_6(%arg0: i32) -> (i32, i32, i32) {
    %c0_i32 = arith.constant 0 : i32
    %c0_i32_0 = arith.constant 0 : i32
    %c0_i32_1 = arith.constant 0 : i32
    return %arg0, %c0_i32, %c0_i32_0 : i32, i32, i32
  }
}

</mosaic_0001>

<sc_bundles>
// kernel: kernel.4.cloned.1.call-start
scs
__scs_entry_jumppad:
0x0: {  	(pc) =	sbr.rel $0x88, $3  }
0x1: {  	(tag) =	ssettag $0x0;
	lr =	simm.s32 $0x1  }
0x2: {  	[smem:$0x3F9E] =	sst lr;
	_ =	strace $0xD0000000  }
0x3: {  	_ = 	snop  }
0x4: {  	_ = 	snop  }
0x5: {  	_ = 	snop  }
0x6: {  	_ = 	snop  }
0x7: {  	_ = 	snop  }
__scs_overlays_trampoline_lowered:
0x8: {  	[smem:$0x3FAD] =	sst s0  }
0x9: {  	[smem:$0x3FAE] =	sst s1  }
0xa: {  	[smem:$0x3FAF] =	sst s2  }
0xb: {  	[smem:$0x3FB0] =	sst s3  }
0xc: {  	[smem:$0x3FB1] =	sst s4  }
0xd: {  	[smem:$0x3FB2] =	sst s5  }
0xe: {  	[smem:$0x3FB3] =	sst s6  }
0xf: {  	[smem:$0x3FB4] =	sst s7  }
0x10: {  	[smem:$0x3FB5] =	sst s8  }
0x11: {  	[smem:$0x3FB6] =	sst s9;
	s0 =	simm.s32 @!p0 $0x0  }
0x12: {  	s1 =	sld [smem:$0x3F9C];
	s0 =	simm.s32 @p0 $0x1  }
0x13: {  	[smem:$0x3FB7] =	sst s0;
	s0 =	simm.s32 @!p1 $0x0  }
0x14: {  	s2 =	sld [smem:$0x3F9B];
	s0 =	simm.s32 @p1 $0x1  }
0x15: {  	[smem:$0x3FB8] =	sst s0;
	s0 =	simm.s32 @!p2 $0x0  }
0x16: {  	s3 =	sld [smem:$0x3FDB];
	s0 =	simm.s32 @p2 $0x1  }
0x17: {  	s4 =	simm.s32 $0x1BF5;
	[smem:$0x3FBA] =	sst s0  }
0x18: {  	s0 =	sld [smem:$0x3F9D];
	_ =	swait.ge [sflag:s4], $0x0  }
0x19: {  	s7 =	sld [smem:$0x3F9E]  }
0x1a: {  	s8 =	sadd.s32 $0xFFFFE003, lr  }
0x1b: {  	s9 =	sadd.s32 $0xFFFFFEF7, lr;
	s5 =	simm.s32 $0xFFFFFFFF;
	p2 =	slt.u32 s8, $0xFFFFF086  }
0x1c: {  	p1 =	slt.u32 s9, $0xF7A;
	s5 =	simm.s32 @!p2 $0x0  }
0x1d: {  	s5 =	simm.s32 @p1 $0x1;
	p0 =	seq.s32 s7, s2  }
0x1e: {  	s7 =	smul.u32 @!p0 $0xF7A, s2;
	p2 =	seq.s32 @!p0 s5, $0x0  }
0x1f: {  	s9 =	smul.u32 $0xF7A, s1;
	s8 =	simm.s32 @!p0 $0x1BF5;
	p2 =	por !p2, p0  }
0x20: {  	[sflag:s8] =	ssyncset.s32 @!p0 $0xFFFFF086;
	s6 =	sadd.s32 @!p0 s3, s7;
	s7 =	simm.s32 @!p0 $0x108  }
0x21: {  	s3 =	sadd.s32 s3, s9;
	s6 =	sadd.s32 @!p0 $0x88, s6;
	s7 =	simm.s32 @p2 $0x1082  }
0x22: {  	[simem:s7], [sflag:s8] =	dma.local @!p0 [hbm:s6], $0xF7A  }
0x23: {  	s9 =	sor.u32 $0xD0000000, s2;
	s6 =	simm.s32 $0x108;
	_ =	swait.ge @!p0 [sflag:s8], $0x0  }
0x24: {  	s3 =	sadd.s32 $0x88, s3;
	s6 =	simm.s32 @!p1 $0x1082;
	[sflag:s4] =	ssyncset.s32 $0xFFFFF086  }
0x25: {  	[simem:s6], [sflag:s4] =	dma.local [hbm:s3], $0xF7A  }
0x26: {  	[smem:$0x3F9E] =	sst s1;
	(tag) =	ssettag s2;
	_ =	strace s9  }
0x27: {  	s1 =	sld [smem:$0x3FAE]  }
0x28: {  	s2 =	sld [smem:$0x3FAF]  }
0x29: {  	s4 =	sld [smem:$0x3FB1]  }
0x2a: {  	p0 =	seq.s32 s5, $0x0;
	s5 =	sld [smem:$0x3FB2]  }
0x2b: {  	s6 =	sld [smem:$0x3FB3]  }
0x2c: {  	s7 =	sld [smem:$0x3FB4]  }
0x2d: {  	s3 =	simm.s32 $0x108;
	s8 =	sld [smem:$0x3FB5]  }
0x2e: {  	s3 =	simm.s32 @!p0 $0x1082;
	s9 =	sld [smem:$0x3FB6]  }
0x2f: {  	lr =	sadd.s32 s0, s3;
	s0 =	sld [smem:$0x3FAD]  }
0x30: {  	s3 =	sld [smem:$0x3FB0]  }
0x31: {  	[smem:$0x3FB9] =	sst s10  }
0x32: {  	s10 =	sld [smem:$0x3FB7];
	_ =	sdelay $0x3  }
0x33: {  	p0 =	seq.s32 s10, $0x1;
	s10 =	sld [smem:$0x3FB9];
	_ =	sdelay $0x3  }
0x34: {  	[smem:$0x3FB9] =	sst s10  }
0x35: {  	s10 =	sld [smem:$0x3FB8];
	_ =	sdelay $0x3  }
0x36: {  	p1 =	seq.s32 s10, $0x1;
	s10 =	sld [smem:$0x3FB9];
	_ =	sdelay $0x3  }
0x37: {  	[smem:$0x3FB9] =	sst s10  }
0x38: {  	s10 =	sld [smem:$0x3FBA]  }
0x39: {  	_ = 	snop;
	(pc) =	sbr.ind lr, $3  }
0x3a: {  	_ = 	snop  }
0x3b: {  	_ = 	snop  }
0x3c: {  	p2 =	seq.s32 s10, $0x1;
	s10 =	sld [smem:$0x3FB9]  }
0x3d: {  	_ =	shalt  }
0x3e: {  	_ =	shalt  }
0x3f: {  	_ =	shalt  }
0x40: {  	_ =	shalt  }
0x41: {  	_ =	shalt  }
0x42: {  	_ =	shalt  }
0x43: {  	_ =	shalt  }
0x44: {  	_ =	shalt  }
0x45: {  	_ =	shalt  }
0x46: {  	_ =	shalt  }
0x47: {  	_ =	shalt  }
0x48: {  	_ =	shalt  }
0x49: {  	_ =	shalt  }
0x4a: {  	_ =	shalt  }
0x4b: {  	_ =	shalt  }
0x4c: {  	_ =	shalt  }
0x4d: {  	_ =	shalt  }
0x4e: {  	_ =	shalt  }
0x4f: {  	_ =	shalt  }
0x50: {  	_ =	shalt  }
0x51: {  	_ =	shalt  }
0x52: {  	_ =	shalt  }
0x53: {  	_ =	shalt  }
0x54: {  	_ =	shalt  }
0x55: {  	_ =	shalt  }
0x56: {  	_ =	shalt  }
0x57: {  	_ =	shalt  }
0x58: {  	_ =	shalt  }
0x59: {  	_ =	shalt  }
0x5a: {  	_ =	shalt  }
0x5b: {  	_ =	shalt  }
0x5c: {  	_ =	shalt  }
0x5d: {  	_ =	shalt  }
0x5e: {  	_ =	shalt  }
0x5f: {  	_ =	shalt  }
0x60: {  	_ =	shalt  }
0x61: {  	_ =	shalt  }
0x62: {  	_ =	shalt  }
0x63: {  	_ =	shalt  }
0x64: {  	_ =	shalt  }
0x65: {  	_ =	shalt  }
0x66: {  	_ =	shalt  }
0x67: {  	_ =	shalt  }
0x68: {  	_ =	shalt  }
0x69: {  	_ =	shalt  }
0x6a: {  	_ =	shalt  }
0x6b: {  	_ =	shalt  }
0x6c: {  	_ =	shalt  }
0x6d: {  	_ =	shalt  }
0x6e: {  	_ =	shalt  }
0x6f: {  	_ =	shalt  }
0x70: {  	_ =	shalt  }
0x71: {  	_ =	shalt  }
0x72: {  	_ =	shalt  }
0x73: {  	_ =	shalt  }
0x74: {  	_ =	shalt  }
0x75: {  	_ =	shalt  }
0x76: {  	_ =	shalt  }
0x77: {  	_ =	shalt  }
0x78: {  	_ =	shalt  }
0x79: {  	_ =	shalt  }
0x7a: {  	_ =	shalt  }
0x7b: {  	_ =	shalt  }
0x7c: {  	_ =	shalt  }
0x7d: {  	_ =	shalt  }
0x7e: {  	_ =	shalt  }
0x7f: {  	_ =	shalt  }
0x80: {  	_ =	shalt  }
0x81: {  	_ =	shalt  }
0x82: {  	_ =	shalt  }
0x83: {  	_ =	shalt  }
0x84: {  	_ =	shalt  }
0x85: {  	_ =	shalt  }
0x86: {  	_ =	shalt  }
0x87: {  	_ =	shalt  }
.Lfunc_end0:
.L_simem_size_0:
called_computation_lowered:
.L_overlay_start_0:
0x88: {  	s2 =	sld [smem:$0x3FD9]  }
0x89: {  	s3 =	sld [smem:$0x3FFE];
	_ =	sdelay $0x1  }
0x8a: {  	s1 =	srdreg.scid  }
0x8b: {  	s0 =	sand.u32 $0x1, s1  }
0x8c: {  	s14 =	sshll.u32 s0, $0xA;
	s2 =	sadd.s32 s3, s2  }
0x8d: {  	s2 =	sadd.s32 s2, s14  }
0x8e: {  	[smem:$0x3FC5] =	sst s2  }
0x8f: {  	_ = 	snop  }
0x90: {  	s2 =	sld [smem:$0x3FD0];
	_ =	sdelay $0x2  }
0x91: {  	s15 =	simm.s32 $0xA;
	s4 =	simm.s32 $0x10  }
0x92: {  	[smem:s4], [sflag:s15] =	dma.local [hbm:s2], $0x1  }
0x93: {  	_ =	swait.eq [sflag:s15], $0x1  }
0x94: {  	[sflag:s15] =	ssyncset.done $0x0  }
0x95: {  	[sflag:s15] =	ssyncadd.s32 $0xFFFFFFFF  }
0x96: {  	s16 =	sld [smem:$0x12];
	(tm) =	ssettm $0x1  }
0x97: {  	s17 =	sld [smem:$0x3FFB];
	_ =	sdelay $0x3  }
0x98: {  	_ =	strace s17  }
0x99: {  	s3 =	sld [smem:$0x3FFC];
	_ =	sdelay $0x3  }
0x9a: {  	_ =	strace s3  }
0x9b: {  	s3 =	sld [smem:$0x3FFD];
	_ =	sdelay $0x3  }
0x9c: {  	_ =	strace s3  }
0x9d: {  	_ =	strace $0x8FFFFFFF  }
0x9e: {  	s18 =	sld [smem:$0x3FDB];
	_ =	sdelay $0x1  }
0x9f: {  	s19 =	simm.s32 $_scs_section_size  }
0xa0: {  	s5 =	simm.s32 $_size__tile_overlayer_lowered;
	s6 =	simm.s32 $_tile_overlayer_lowered  }
0xa1: {  	s22 =	simm.s32 $0x1BFF;
	s21 =	sshll.u32 s6, $0x1;
	s3 =	sadd.s32 s19, s18  }
0xa2: {  	s7 =	simm.s32 $0x0;
	s20 =	sshll.u32 s5, $0x1;
	s5 =	sadd.s32 s21, s3  }
0xa3: {  	[timem:s7], [sflag:s22] =	dma.local [hbm:s5], s20  }
0xa4: {  	_ =	swait.ge [sflag:s22], s20  }
0xa5: {  	s4 =	ssub.s32 $0x0, s20;
	[sflag:s22] =	ssyncset.done $0x0  }
0xa6: {  	[sflag:s22] =	ssyncadd.s32 s4;
	_ =	sdelay $0x1  }
0xa7: {  	s23 =	simm.s32 $0x1B8B  }
0xa8: {  	_ =	swait.ge [sflag:s23], $0x1  }
0xa9: {  	[sflag:s23] =	ssyncset.done $0x0  }
0xaa: {  	s25 =	simm.s32 $0x1B8E;
	s24 =	sld [smem:$0x3FFE];
	[sflag:s23] =	ssyncadd.s32 $0xFFFFFFFF  }
0xab: {  	s26 =	simm.s32 $execute0_lowered;
	[smem:$0x3FD2] =	sst s25  }
0xac: {  	s5 =	sshll.u32 s26, $0x1;
	_ =	strace $0x80000046;
	[dreg:$0x1] =	wrdreg $0xFFFFFFFF  }
0xad: {  	s28 =	simm.s32 $_size_execute0_lowered;
	s3 =	sadd.s32 s3, s5;
	[dreg:$0x0] =	wrdreg $0x0  }
0xae: {  	s5 =	sshll.u32 s28, $0x1;
	[dreg:$0x2] =	wrdreg s3  }
0xaf: {  	[dreg:$0x3] =	wrdreg s5  }
0xb0: {  	[dreg:$0x4] =	wrdreg $0xC0  }
0xb1: {  	_ =	task [dreg:s7], $0x5FFFF  }
0xb2: {  	[dreg:$0x1] =	wrdreg $0xFFFFFFFF  }
0xb3: {  	[dreg:$0x0] =	wrdreg $0x60  }
0xb4: {  	[dreg:$0x2] =	wrdreg s24  }
0xb5: {  	[dreg:$0x3] =	wrdreg s16  }
0xb6: {  	[dreg:$0x4] =	wrdreg $0x9  }
0xb7: {  	_ =	task.clear_ibuf [dreg:s7], $0x5FFFF;
	_ =	strace $0x90000046  }
0xb8: {  	s29 =	simm.s32 $0x9;
	_ =	strace $0x80000048  }
0xb9: {  	_ =	swait.ge [sflag:s29], $0x1  }
0xba: {  	[sflag:s29] =	ssyncadd.s32 $0xFFFFFFFF  }
0xbb: {  	_ =	strace $0x90000048  }
0xbc: {  	_ =	sfence  }
0xbd: {  	s30 =	sld [smem:$0x0];
	_ =	sdelay $0x2  }
0xbe: {  	s31 =	sshll.u32 s1, $0xD;
	s1 =	sshrl.u32 s1, $0x2  }
0xbf: {  	s3 =	sand.u32 $0x4000, s31;
	s1 =	sadd.s32 s1, s30  }
0xc0: {  	s0 =	sor.u32 s3, s0;
	s1 =	sshll.u32 s1, $0x11  }
0xc1: {  	s0 =	sor.u32 s1, s0  }
0xc2: {  	s0 =	sadd.s32 $0x8F2B, s0  }
0xc3: {  	[sflag:s0] =	ssyncadd.remote.s32 $0x1  }
0xc4: {  	_ =	sfence.sel $0xFFFF  }
0xc5: {  	[dreg:$0x0] =	wrdreg $0xFFFFFFFF;
	(pc) =	sbr.abs _section_cstart, $3  }
0xc6: {  	[dreg:$0x1] =	wrdreg $0xFFFFFFFF  }
0xc7: {  	_ =	task.clear_ibuf [dreg:s7], $0x2FFFF;
	_ =	strace $0x9FFFFFFF  }
0xc8: {  	(tm) =	ssettm $0x7FFFFFFF  }
0xc9: {  	_ =	shalt  }
tec
execute0_lowered:
.L_overlay_start_1:
0x0: {  	(tag) =	ssettag $0x1  }
0x1: {  	s9 =	rddreg [dreg:$0x0]  }
0x2: {  	s1 =	srdreg.scid;
	s0 =	stileid.u32  }
0x3: {  	s3 =	rddreg [dreg:$0x1];
	s23 =	sand.u32 $0x1, s1;
	s4 =	sshll.u32 s0, $0x1  }
0x4: {  	s2 =	simm.s32 $0x0;
	s1 =	rddreg [dreg:$0x2];
	s10 =	sor.u32 s23, s4  }
0x5: {  	[smem:$0x7FF] =	sst s2;
	s4 =	sshll.u32 s10, $0x7  }
0x6: {  	_ =	strace $0x80000047;
	s4 =	sadd.s32 s3, s4;
	s3 =	simm.s32 $0x2  }
0x7: {  	[tilespmem:s2], [sflag:$0x2] =	stream.linear.gather [hbm4b:s4+s2], $0x400, $0x38;
	[tilespmem:$0x8400] =	vst v63  }
0x8: {  	_ =	swait.ge [sflag:s3], $0x400  }
0x9: {  	s6 =	simm.s32 $0x80;
	s7 =	simm.s32 $0x400;
	[sflag:s3] =	ssyncset.done $0x0  }
0xa: {  	s8 =	simm.s32 $0x1;
	s5 =	sadd.s32 $0xF43400, s9;
	[sflag:s3] =	ssyncadd.s32 $0xFFFFFC00  }
0xb: {  	[tilespmem:s7], [sflag:$0x1] =	stream.indirect.gather [hbm4b:s5+s6], $0x80, s2, s6, $0xb8;
	[tilespmem:$0x8400] =	vst v63  }
0xc: {  	_ =	swait.ge [sflag:s8], $0x4000  }
0xd: {  	s10 =	sshll.u32 s10, $0xE;
	[sflag:s8] =	ssyncset.done $0x0  }
0xe: {  	s24 =	sadd.s32 s10, s9;
	s9 =	simm.s32 $0x4400;
	[sflag:s8] =	ssyncadd.s32 $0xFFFFC000  }
0xf: {  	[tilespmem:s9], [sflag:$0x1] =	stream.indirect.gather [hbm4b:s5+s6], $0x80, s6, s6, $0xb8;
	[tilespmem:$0x8400] =	vst v63  }
0x10: {  	s10 =	sadd.s32 $0x1000, s24  }
0x11: {  	[hbm4b:s10+s2] =	stream.linear.scatter [tilespmem:s7], [sflag:$0x2], $0x4000, $0x38;
	[tilespmem:$0x8400] =	vst v63  }
0x12: {  	_ =	swait.ge [sflag:s3], $0x4000  }
0x13: {  	[sflag:s3] =	ssyncset.done $0x0  }
0x14: {  	[sflag:s3] =	ssyncadd.s32 $0xFFFFC000  }
0x15: {  	_ =	swait.ge [sflag:s8], $0x4000  }
0x16: {  	[sflag:s8] =	ssyncset.done $0x0  }
0x17: {  	s11 =	simm.s32 $0x100;
	[sflag:s8] =	ssyncadd.s32 $0xFFFFC000  }
0x18: {  	[tilespmem:s7], [sflag:$0x1] =	stream.indirect.gather [hbm4b:s5+s6], $0x80, s11, s6, $0xb8;
	[tilespmem:$0x8400] =	vst v63  }
0x19: {  	s12 =	sadd.s32 $0x1800, s24  }
0x1a: {  	[hbm4b:s12+s2] =	stream.linear.scatter [tilespmem:s9], [sflag:$0x2], $0x4000, $0x38;
	[tilespmem:$0x8400] =	vst v63  }
0x1b: {  	_ =	swait.ge [sflag:s3], $0x4000  }
0x1c: {  	[sflag:s3] =	ssyncset.done $0x0  }
0x1d: {  	[sflag:s3] =	ssyncadd.s32 $0xFFFFC000  }
0x1e: {  	_ =	swait.ge [sflag:s8], $0x4000  }
0x1f: {  	[sflag:s8] =	ssyncset.done $0x0  }
0x20: {  	s13 =	simm.s32 $0x180;
	[sflag:s8] =	ssyncadd.s32 $0xFFFFC000  }
0x21: {  	[tilespmem:s9], [sflag:$0x1] =	stream.indirect.gather [hbm4b:s5+s6], $0x80, s13, s6, $0xb8;
	[tilespmem:$0x8400] =	vst v63  }
0x22: {  	s14 =	sadd.s32 $0x2000, s24  }
0x23: {  	[hbm4b:s14+s2] =	stream.linear.scatter [tilespmem:s7], [sflag:$0x2], $0x4000, $0x38;
	[tilespmem:$0x8400] =	vst v63  }
0x24: {  	_ =	swait.ge [sflag:s3], $0x4000  }
0x25: {  	[sflag:s3] =	ssyncset.done $0x0  }
0x26: {  	[sflag:s3] =	ssyncadd.s32 $0xFFFFC000  }
0x27: {  	_ =	swait.ge [sflag:s8], $0x4000  }
0x28: {  	[sflag:s8] =	ssyncset.done $0x0  }
0x29: {  	s15 =	simm.s32 $0x200;
	[sflag:s8] =	ssyncadd.s32 $0xFFFFC000  }
0x2a: {  	[tilespmem:s7], [sflag:$0x1] =	stream.indirect.gather [hbm4b:s5+s6], $0x80, s15, s6, $0xb8;
	[tilespmem:$0x8400] =	vst v63  }
0x2b: {  	s16 =	sadd.s32 $0x2800, s24  }
0x2c: {  	[hbm4b:s16+s2] =	stream.linear.scatter [tilespmem:s9], [sflag:$0x2], $0x4000, $0x38;
	[tilespmem:$0x8400] =	vst v63  }
0x2d: {  	_ =	swait.ge [sflag:s3], $0x4000  }
0x2e: {  	[sflag:s3] =	ssyncset.done $0x0  }
0x2f: {  	[sflag:s3] =	ssyncadd.s32 $0xFFFFC000  }
0x30: {  	_ =	swait.ge [sflag:s8], $0x4000  }
0x31: {  	[sflag:s8] =	ssyncset.done $0x0  }
0x32: {  	s17 =	simm.s32 $0x280;
	[sflag:s8] =	ssyncadd.s32 $0xFFFFC000  }
0x33: {  	[tilespmem:s9], [sflag:$0x1] =	stream.indirect.gather [hbm4b:s5+s6], $0x80, s17, s6, $0xb8;
	[tilespmem:$0x8400] =	vst v63  }
0x34: {  	s18 =	sadd.s32 $0x3000, s24  }
0x35: {  	[hbm4b:s18+s2] =	stream.linear.scatter [tilespmem:s7], [sflag:$0x2], $0x4000, $0x38;
	[tilespmem:$0x8400] =	vst v63  }
0x36: {  	_ =	swait.ge [sflag:s3], $0x4000  }
0x37: {  	[sflag:s3] =	ssyncset.done $0x0  }
0x38: {  	[sflag:s3] =	ssyncadd.s32 $0xFFFFC000  }
0x39: {  	_ =	swait.ge [sflag:s8], $0x4000  }
0x3a: {  	[sflag:s8] =	ssyncset.done $0x0  }
0x3b: {  	s19 =	simm.s32 $0x300;
	[sflag:s8] =	ssyncadd.s32 $0xFFFFC000  }
0x3c: {  	[tilespmem:s7], [sflag:$0x1] =	stream.indirect.gather [hbm4b:s5+s6], $0x80, s19, s6, $0xb8;
	[tilespmem:$0x8400] =	vst v63  }
0x3d: {  	s20 =	sadd.s32 $0x3800, s24  }
0x3e: {  	[hbm4b:s20+s2] =	stream.linear.scatter [tilespmem:s9], [sflag:$0x2], $0x4000, $0x38;
	[tilespmem:$0x8400] =	vst v63  }
0x3f: {  	_ =	swait.ge [sflag:s3], $0x4000  }
0x40: {  	[sflag:s3] =	ssyncset.done $0x0  }
0x41: {  	[sflag:s3] =	ssyncadd.s32 $0xFFFFC000  }
0x42: {  	_ =	swait.ge [sflag:s8], $0x4000  }
0x43: {  	[sflag:s8] =	ssyncset.done $0x0  }
0x44: {  	s21 =	simm.s32 $0x380;
	[sflag:s8] =	ssyncadd.s32 $0xFFFFC000  }
0x45: {  	[tilespmem:s9], [sflag:$0x1] =	stream.indirect.gather [hbm4b:s5+s6], $0x80, s21, s6, $0xb8;
	[tilespmem:$0x8400] =	vst v63  }
0x46: {  	s23 =	ssub.s32 $0x2, s23;
	s22 =	sadd.s32 $0x4000, s24  }
0x47: {  	[hbm4b:s22+s2] =	stream.linear.scatter [tilespmem:s7], [sflag:$0x2], $0x4000, $0x38;
	[tilespmem:$0x8400] =	vst v63  }
0x48: {  	s25 =	sshrl.u32 s23, $0x1;
	_ =	swait.ge [sflag:s3], $0x4000  }
0x49: {  	s25 =	ssub.s32 s23, s25;
	[sflag:s3] =	ssyncset.done $0x0  }
0x4a: {  	s31 =	smax.u32 s25, $0x1;
	[sflag:s3] =	ssyncadd.s32 $0xFFFFC000  }
0x4b: {  	p0 =	sne.s32 s31, $0x1;
	_ =	swait.ge [sflag:s8], $0x4000  }
.Ltmp0:
0x4c: {  	[sflag:s8] =	ssyncset.done $0x0;
	(pc) =	sbr.rel @!p0 .LBB2_2-.Ltmp0, $4  }
0x4d: {  	s23 =	sadd.s32 $0x4800, s24;
	[sflag:s8] =	ssyncadd.s32 $0xFFFFC000  }
0x4e: {  	[hbm4b:s23+s2] =	stream.linear.scatter [tilespmem:s9], [sflag:$0x2], $0x4000, $0x38;
	[tilespmem:$0x8400] =	vst v63  }
0x4f: {  	_ =	swait.ge [sflag:s3], $0x4000  }
0x50: {  	s24 =	sadd.s32 $0xFFFFFFFF, s31;
	[sflag:s3] =	ssyncset.done $0x0  }
.LBB2_1:
0x51: {  	p0 =	sne.s32 s24, $0x1;
	s24 =	sadd.s32 $0xFFFFFFFF, s24;
	[sflag:s3] =	ssyncadd.s32 $0xFFFFC000  }
0x52: {  	[tilespmem:s2], [sflag:$0x2] =	stream.linear.gather [hbm4b:s4+s2], $0x400, $0x38;
	[tilespmem:$0x8400] =	vst v63  }
0x53: {  	_ =	swait.ge [sflag:s3], $0x400  }
0x54: {  	[sflag:s3] =	ssyncset.done $0x0  }
0x55: {  	[sflag:s3] =	ssyncadd.s32 $0xFFFFFC00  }
0x56: {  	[tilespmem:s7], [sflag:$0x1] =	stream.indirect.gather [hbm4b:s5+s6], $0x80, s2, s6, $0xb8;
	[tilespmem:$0x8400] =	vst v63  }
0x57: {  	_ =	swait.ge [sflag:s8], $0x4000  }
0x58: {  	[sflag:s8] =	ssyncset.done $0x0  }
0x59: {  	[sflag:s8] =	ssyncadd.s32 $0xFFFFC000  }
0x5a: {  	[tilespmem:s9], [sflag:$0x1] =	stream.indirect.gather [hbm4b:s5+s6], $0x80, s6, s6, $0xb8;
	[tilespmem:$0x8400] =	vst v63  }
0x5b: {  	_ = 	snop  }
0x5c: {  	[hbm4b:s10+s2] =	stream.linear.scatter [tilespmem:s7], [sflag:$0x2], $0x4000, $0x38;
	[tilespmem:$0x8400] =	vst v63  }
0x5d: {  	_ =	swait.ge [sflag:s3], $0x4000  }
0x5e: {  	[sflag:s3] =	ssyncset.done $0x0  }
0x5f: {  	[sflag:s3] =	ssyncadd.s32 $0xFFFFC000  }
0x60: {  	_ =	swait.ge [sflag:s8], $0x4000  }
0x61: {  	[sflag:s8] =	ssyncset.done $0x0  }
0x62: {  	[sflag:s8] =	ssyncadd.s32 $0xFFFFC000  }
0x63: {  	[tilespmem:s7], [sflag:$0x1] =	stream.indirect.gather [hbm4b:s5+s6], $0x80, s11, s6, $0xb8;
	[tilespmem:$0x8400] =	vst v63  }
0x64: {  	_ = 	snop  }
0x65: {  	[hbm4b:s12+s2] =	stream.linear.scatter [tilespmem:s9], [sflag:$0x2], $0x4000, $0x38;
	[tilespmem:$0x8400] =	vst v63  }
0x66: {  	_ =	swait.ge [sflag:s3], $0x4000  }
0x67: {  	[sflag:s3] =	ssyncset.done $0x0  }
0x68: {  	[sflag:s3] =	ssyncadd.s32 $0xFFFFC000  }
0x69: {  	_ =	swait.ge [sflag:s8], $0x4000  }
0x6a: {  	[sflag:s8] =	ssyncset.done $0x0  }
0x6b: {  	[sflag:s8] =	ssyncadd.s32 $0xFFFFC000  }
0x6c: {  	[tilespmem:s9], [sflag:$0x1] =	stream.indirect.gather [hbm4b:s5+s6], $0x80, s13, s6, $0xb8;
	[tilespmem:$0x8400] =	vst v63  }
0x6d: {  	_ = 	snop  }
0x6e: {  	[hbm4b:s14+s2] =	stream.linear.scatter [tilespmem:s7], [sflag:$0x2], $0x4000, $0x38;
	[tilespmem:$0x8400] =	vst v63  }
0x6f: {  	_ =	swait.ge [sflag:s3], $0x4000  }
0x70: {  	[sflag:s3] =	ssyncset.done $0x0  }
0x71: {  	[sflag:s3] =	ssyncadd.s32 $0xFFFFC000  }
0x72: {  	_ =	swait.ge [sflag:s8], $0x4000  }
0x73: {  	[sflag:s8] =	ssyncset.done $0x0  }
0x74: {  	[sflag:s8] =	ssyncadd.s32 $0xFFFFC000  }
0x75: {  	[tilespmem:s7], [sflag:$0x1] =	stream.indirect.gather [hbm4b:s5+s6], $0x80, s15, s6, $0xb8;
	[tilespmem:$0x8400] =	vst v63  }
0x76: {  	_ = 	snop  }
0x77: {  	[hbm4b:s16+s2] =	stream.linear.scatter [tilespmem:s9], [sflag:$0x2], $0x4000, $0x38;
	[tilespmem:$0x8400] =	vst v63  }
0x78: {  	_ =	swait.ge [sflag:s3], $0x4000  }
0x79: {  	[sflag:s3] =	ssyncset.done $0x0  }
0x7a: {  	[sflag:s3] =	ssyncadd.s32 $0xFFFFC000  }
0x7b: {  	_ =	swait.ge [sflag:s8], $0x4000  }
0x7c: {  	[sflag:s8] =	ssyncset.done $0x0  }
0x7d: {  	[sflag:s8] =	ssyncadd.s32 $0xFFFFC000  }
0x7e: {  	[tilespmem:s9], [sflag:$0x1] =	stream.indirect.gather [hbm4b:s5+s6], $0x80, s17, s6, $0xb8;
	[tilespmem:$0x8400] =	vst v63  }
0x7f: {  	_ = 	snop  }
0x80: {  	[hbm4b:s18+s2] =	stream.linear.scatter [tilespmem:s7], [sflag:$0x2], $0x4000, $0x38;
	[tilespmem:$0x8400] =	vst v63  }
0x81: {  	_ =	swait.ge [sflag:s3], $0x4000  }
0x82: {  	[sflag:s3] =	ssyncset.done $0x0  }
0x83: {  	[sflag:s3] =	ssyncadd.s32 $0xFFFFC000  }
0x84: {  	_ =	swait.ge [sflag:s8], $0x4000  }
0x85: {  	[sflag:s8] =	ssyncset.done $0x0  }
0x86: {  	[sflag:s8] =	ssyncadd.s32 $0xFFFFC000  }
0x87: {  	[tilespmem:s7], [sflag:$0x1] =	stream.indirect.gather [hbm4b:s5+s6], $0x80, s19, s6, $0xb8;
	[tilespmem:$0x8400] =	vst v63  }
0x88: {  	_ = 	snop  }
0x89: {  	[hbm4b:s20+s2] =	stream.linear.scatter [tilespmem:s9], [sflag:$0x2], $0x4000, $0x38;
	[tilespmem:$0x8400] =	vst v63  }
0x8a: {  	_ =	swait.ge [sflag:s3], $0x4000  }
0x8b: {  	[sflag:s3] =	ssyncset.done $0x0  }
0x8c: {  	[sflag:s3] =	ssyncadd.s32 $0xFFFFC000  }
0x8d: {  	_ =	swait.ge [sflag:s8], $0x4000  }
0x8e: {  	[sflag:s8] =	ssyncset.done $0x0  }
0x8f: {  	[sflag:s8] =	ssyncadd.s32 $0xFFFFC000  }
0x90: {  	[tilespmem:s9], [sflag:$0x1] =	stream.indirect.gather [hbm4b:s5+s6], $0x80, s21, s6, $0xb8;
	[tilespmem:$0x8400] =	vst v63  }
0x91: {  	_ = 	snop  }
0x92: {  	[hbm4b:s22+s2] =	stream.linear.scatter [tilespmem:s7], [sflag:$0x2], $0x4000, $0x38;
	[tilespmem:$0x8400] =	vst v63  }
0x93: {  	_ =	swait.ge [sflag:s3], $0x4000  }
0x94: {  	[sflag:s3] =	ssyncset.done $0x0  }
0x95: {  	[sflag:s3] =	ssyncadd.s32 $0xFFFFC000  }
0x96: {  	_ =	swait.ge [sflag:s8], $0x4000  }
.Ltmp1:
0x97: {  	[sflag:s8] =	ssyncset.done $0x0;
	(pc) =	sbr.rel @p0 .LBB2_1-.Ltmp1, $4  }
0x98: {  	[sflag:s8] =	ssyncadd.s32 $0xFFFFC000  }
0x99: {  	[hbm4b:s23+s2] =	stream.linear.scatter [tilespmem:s9], [sflag:$0x2], $0x4000, $0x38;
	[tilespmem:$0x8400] =	vst v63  }
0x9a: {  	_ =	swait.ge [sflag:s3], $0x4000  }
0x9b: {  	[sflag:s3] =	ssyncset.done $0x0  }
.LBB2_2:
0x9c: {  	[sflag:s3] =	ssyncadd.s32 $0xFFFFC000  }
0x9d: {  	_ =	sfence.sel $0x180000  }
0x9e: {  	[bflag:$0x0] =	sbarrier.arrive $0xFFFF  }
0x9f: {  	p0 =	sne.s32 s0, $0x0;
	_ =	strace $0x90000047  }
0xa0: {  	s0 =	sadd.s32 @!p0 $0x100000, s1;
	[bflag:$0x2] =	sbarrier.arrive $0xFFFF  }
0xa1: {  	[sflag:s0] =	ssyncadd.tile.s32 @!p0 $0x1;
	_ =	shalt  }
.Lfunc_end2:
_tile_overlayer_lowered:
.L_overlay_start_2:
0xa2: {  	(tag) =	ssettag $0x2  }
0xa3: {  	s0 =	rddreg [dreg:$0x0];
	s2 =	stileid.u32  }
0xa4: {  	s1 =	rddreg [dreg:$0x1];
	p0 =	sne.s32 s2, $0x0  }
0xa5: {  	s3 =	rddreg [dreg:$0x2];
	[bflag:$0x3] =	sbarrier.arrive $0xFFFF;
	s2 =	simm.s32 @!p0 $0x1C02  }
0xa6: {  	[timem:s3], [sflag:s2] =	dma.local @!p0 [hbm:s0], s1  }
0xa7: {  	s0 =	simm.s32 @!p0 $0x2  }
0xa8: {  	_ =	swait.ge @!p0 [sflag:s0], s1  }
0xa9: {  	s1 =	ssub.s32 @!p0 $0x0, s1;
	[sflag:s0] =	ssyncset.done @!p0 $0x0  }
0xaa: {  	[sflag:s0] =	ssyncadd.s32 @!p0 s1  }
0xab: {  	[bflag:$0x3] =	sbarrier.arrive $0xFFFF  }
0xac: {  	_ =	shalt  }

</sc_bundles>
